<compile_context>
chip_gen: v7x
topology: tpu7x:2x2x1
jax: 0.10.2.dev20260603
libtpu: 0.0.44.dev20260713+nightly
codegen_flags: <defaults>
</compile_context>

<pallas_src>
import functools

import jax
import jax.numpy as jnp
from jax import lax
from jax.experimental import pallas as pl
from jax.experimental.pallas import tpu as pltpu
from jax.experimental.pallas import tpu_sc as plsc

HID = 128
BS = 1024
N_NUM = 100
N_BIN = 26
CAT_LEN = 50
NAME_LEN = 8
EPS = 1e-5

HDR = 1024
HDR_PAD = 6400
B_TILE = 128
TILES = BS // B_TILE
T1 = 2
T2 = TILES - T1
CAT1 = T1 * B_TILE * CAT_LEN
CAT2 = T2 * B_TILE * CAT_LEN
N_SEQ = N_NUM + N_BIN + CAT_LEN
N_NB = N_NUM + N_BIN


def _make_sc_gather(hdr_rows, cat_off, cat_base, cat_rows, tot_rows):
    info = plsc.get_sparse_core_info()
    nc, ns = info.num_cores, info.num_subcores
    nw = nc * ns
    hdr_w = hdr_rows // nw
    cat_w = cat_rows // nw
    nbuf = 5

    mesh = plsc.VectorSubcoreMesh(core_axis_name="c", subcore_axis_name="s")

    @functools.partial(
        pl.kernel,
        mesh=mesh,
        out_type=jax.ShapeDtypeStruct((tot_rows, HID), jnp.float32),
        scratch_types=[
            pltpu.VMEM((hdr_w + cat_w,), jnp.int32),
        ] + [pltpu.VMEM((128, HID), jnp.float32)] * nbuf
          + [pltpu.SemaphoreType.DMA] * (2 * nbuf),
    )
    def gather_kernel(table_hbm, *io):
        if hdr_rows:
            hdr_idx_hbm, cat_idx_hbm, out_hbm, idx_v, *rest = io
        else:
            cat_idx_hbm, out_hbm, idx_v, *rest = io
        bufs = rest[:nbuf]
        gsems = rest[nbuf:2 * nbuf]
        wsems = rest[2 * nbuf:3 * nbuf]
        wid = lax.axis_index("s") * nc + lax.axis_index("c")
        if hdr_w:
            pltpu.sync_copy(hdr_idx_hbm.at[pl.ds(wid * hdr_w, hdr_w)],
                            idx_v.at[pl.ds(0, hdr_w)])
        pltpu.sync_copy(cat_idx_hbm.at[pl.ds(cat_off + wid * cat_w, cat_w)],
                        idx_v.at[pl.ds(hdr_w, cat_w)])
        jobs = []
        if hdr_w:
            jobs.append((0, wid * hdr_w, hdr_w))
        off = 0
        while off < cat_w:
            sz = min(128, cat_w - off)
            jobs.append((hdr_w + off, cat_base + wid * cat_w + off, sz))
            off += sz
        ahead = nbuf - 2
        n = len(jobs)
        gcp = [None] * n
        wcp = [None] * n
        for i in range(n + ahead):
            if i < n:
                ioff, obase, sz = jobs[i]
                b = i % nbuf
                if i >= nbuf:
                    wcp[i - nbuf].wait()
                gcp[i] = pltpu.async_copy(
                    table_hbm.at[idx_v.at[pl.ds(ioff, sz)]],
                    bufs[b].at[pl.ds(0, sz)], gsems[b])
            j = i - ahead
            if 0 <= j < n:
                _, jobase, jsz = jobs[j]
                jb = j % nbuf
                gcp[j].wait()
                wcp[j] = pltpu.async_copy(
                    bufs[jb].at[pl.ds(0, jsz)],
                    out_hbm.at[pl.ds(jobase, jsz)], wsems[jb])
        for j in range(max(0, n - nbuf), n):
            wcp[j].wait()

    return gather_kernel


def _fold_pq(hdr, nm, bm, g, lb, nbias, bbias, wn, bn, wb, bbin):
    mu = jnp.mean(hdr, axis=-1, keepdims=True)
    var = jnp.mean((hdr - mu) ** 2, axis=-1, keepdims=True)
    ln_h = (hdr - mu) * lax.rsqrt(var + EPS) * g + lb
    num_col = ((ln_h[:N_NUM * NAME_LEN].reshape(N_NUM, NAME_LEN, HID)
                * nm[:, :, None]).sum(axis=1)
               / nm.sum(axis=1, keepdims=True))
    bin_base = N_NUM * NAME_LEN
    bin_col = ((ln_h[bin_base:bin_base + N_BIN * NAME_LEN]
                .reshape(N_BIN, NAME_LEN, HID) * bm[:, :, None]).sum(axis=1)
               / bm.sum(axis=1, keepdims=True))
    p_num = jnp.dot(num_col, wn, preferred_element_type=jnp.float32)
    q_num = jnp.dot(nbias, wn, preferred_element_type=jnp.float32) + bn
    p_bin = jnp.dot(bin_col, wb, preferred_element_type=jnp.float32)
    q_bin = jnp.dot(bbias, wb, preferred_element_type=jnp.float32) + bbin
    p = jnp.concatenate([p_num, p_bin], axis=0)
    q = jnp.concatenate([jnp.broadcast_to(q_num, (N_NUM, HID)),
                         jnp.broadcast_to(q_bin, (N_BIN, HID))], axis=0)
    return p, q


def _dense_common(p, q, cat_ref, xn_ref, xb_ref, cm_ref, g, lb,
                  wc_ref, bc_ref, emb_ref, mask_ref):
    x = jnp.concatenate([xn_ref[...], xb_ref[...]], axis=1)
    numbin = x[:, :, None] * p[None] + q[None]
    cat = cat_ref[...]
    cmu = jnp.mean(cat, axis=-1, keepdims=True)
    cvar = jnp.mean((cat - cmu) ** 2, axis=-1, keepdims=True)
    cln = (cat - cmu) * lax.rsqrt(cvar + EPS) * g + lb
    catf = (jnp.dot(cln, wc_ref[...], preferred_element_type=jnp.float32)
            + bc_ref[...][None, :])
    emb_ref[...] = jnp.concatenate(
        [numbin, catf.reshape(B_TILE, CAT_LEN, HID)], axis=1)
    mask_ref[...] = jnp.concatenate(
        [jnp.ones((B_TILE, N_NB), jnp.float32), cm_ref[...]], axis=1)


def _dense1_body(hdr_ref, cat_ref, xn_ref, xb_ref, nm_ref, bm_ref, cm_ref,
                 g_ref, lb_ref, nbias_ref, bbias_ref,
                 wn_ref, bn_ref, wc_ref, bc_ref, wb_ref, bbin_ref,
                 emb_ref, mask_ref, p_out, q_out, p_scr, q_scr):
    g = g_ref[...][None, :]
    lb = lb_ref[...][None, :]

    @pl.when(pl.program_id(0) == 0)
    def _():
        p, q = _fold_pq(hdr_ref[...], nm_ref[...], bm_ref[...], g, lb,
                        nbias_ref[...].reshape(1, HID),
                        bbias_ref[...].reshape(1, HID),
                        wn_ref[...], bn_ref[...][None, :],
                        wb_ref[...], bbin_ref[...][None, :])
        p_scr[...] = p
        q_scr[...] = q
        p_out[...] = p
        q_out[...] = q

    _dense_common(p_scr[...], q_scr[...], cat_ref, xn_ref, xb_ref, cm_ref,
                  g, lb, wc_ref, bc_ref, emb_ref, mask_ref)


def _dense2_body(p_ref, q_ref, cat_ref, xn_ref, xb_ref, cm_ref,
                 g_ref, lb_ref, wc_ref, bc_ref,
                 emb_in_ref, mask_in_ref, emb_ref, mask_ref):
    del emb_in_ref, mask_in_ref
    _dense_common(p_ref[...], q_ref[...], cat_ref, xn_ref, xb_ref, cm_ref,
                  g_ref[...][None, :], lb_ref[...][None, :],
                  wc_ref, bc_ref, emb_ref, mask_ref)


_vec1 = pl.BlockSpec((HID,), lambda i: (0,))
_b3 = pl.BlockSpec((1, 1, HID), lambda i: (0, 0, 0))


def _const2(shape):
    return pl.BlockSpec(shape, lambda i: (0, 0))


_OUT_SHAPE_MAIN = [
    jax.ShapeDtypeStruct((BS, N_SEQ, HID), jnp.float32),
    jax.ShapeDtypeStruct((BS, N_SEQ), jnp.float32),
]


def _dense_half1(rows1, x_num, x_bin, num_mask, bin_mask, cat_mask,
                 ln_g, ln_b, num_bias, bin_bias,
                 w_num, b_num, w_cat, b_cat, w_bin, b_bin):
    return pl.pallas_call(
        _dense1_body,
        grid=(T1,),
        in_specs=[
            pl.BlockSpec((HDR, HID), lambda i: (0, 0)),
            pl.BlockSpec((B_TILE * CAT_LEN, HID), lambda i: (i + 1, 0)),
            pl.BlockSpec((B_TILE, N_NUM), lambda i: (i, 0)),
            pl.BlockSpec((B_TILE, N_BIN), lambda i: (i, 0)),
            _const2((N_NUM, NAME_LEN)),
            _const2((N_BIN, NAME_LEN)),
            pl.BlockSpec((B_TILE, CAT_LEN), lambda i: (i, 0)),
            _vec1, _vec1,
            _b3, _b3,
            _const2((HID, HID)), _vec1,
            _const2((HID, HID)), _vec1,
            _const2((HID, HID)), _vec1,
        ],
        out_specs=[
            pl.BlockSpec((B_TILE, N_SEQ, HID), lambda i: (i, 0, 0)),
            pl.BlockSpec((B_TILE, N_SEQ), lambda i: (i, 0)),
            _const2((N_NB, HID)),
            _const2((N_NB, HID)),
        ],
        out_shape=_OUT_SHAPE_MAIN + [
            jax.ShapeDtypeStruct((N_NB, HID), jnp.float32),
            jax.ShapeDtypeStruct((N_NB, HID), jnp.float32),
        ],
        scratch_shapes=[
            pltpu.VMEM((N_NB, HID), jnp.float32),
            pltpu.VMEM((N_NB, HID), jnp.float32),
        ],
    )(rows1, rows1, x_num, x_bin, num_mask, bin_mask, cat_mask,
      ln_g, ln_b, num_bias, bin_bias,
      w_num, b_num, w_cat, b_cat, w_bin, b_bin)


def _dense_half2(p, q, rows2, x_num, x_bin, cat_mask, ln_g, ln_b,
                 w_cat, b_cat, emb_in, mask_in):
    t0 = T1
    return pl.pallas_call(
        _dense2_body,
        grid=(T2,),
        in_specs=[
            _const2((N_NB, HID)),
            _const2((N_NB, HID)),
            pl.BlockSpec((B_TILE * CAT_LEN, HID), lambda i: (i, 0)),
            pl.BlockSpec((B_TILE, N_NUM), lambda i: (i + t0, 0)),
            pl.BlockSpec((B_TILE, N_BIN), lambda i: (i + t0, 0)),
            pl.BlockSpec((B_TILE, CAT_LEN), lambda i: (i + t0, 0)),
            _vec1, _vec1,
            _const2((HID, HID)), _vec1,
            pl.BlockSpec(memory_space=pltpu.MemorySpace.HBM),
            pl.BlockSpec(memory_space=pltpu.MemorySpace.HBM),
        ],
        out_specs=[
            pl.BlockSpec((B_TILE, N_SEQ, HID), lambda i: (i + t0, 0, 0)),
            pl.BlockSpec((B_TILE, N_SEQ), lambda i: (i + t0, 0)),
        ],
        out_shape=_OUT_SHAPE_MAIN,
        input_output_aliases={10: 0, 11: 1},
    )(p, q, rows2, x_num, x_bin, cat_mask, ln_g, ln_b, w_cat, b_cat,
      emb_in, mask_in)


def kernel(x_num, num_col_input_ids, num_att_mask, x_cat_input_ids,
           cat_att_mask, x_bin, x_bin_input_ids, bin_att_mask, word_table,
           ln_g, ln_b, num_bias, bin_bias, W_num, b_num, W_cat, b_cat,
           W_bin, b_bin):
    cat_ids = x_cat_input_ids.reshape(-1).astype(jnp.int32)
    hdr_ids = jnp.concatenate([
        num_col_input_ids.reshape(-1).astype(jnp.int32),
        x_bin_input_ids.reshape(-1).astype(jnp.int32),
        jnp.zeros((HDR - (N_NUM + N_BIN) * NAME_LEN,), jnp.int32),
    ])
    gather1 = _make_sc_gather(HDR, 0, HDR_PAD, CAT1, HDR_PAD + CAT1)
    gather2 = _make_sc_gather(0, CAT1, 0, CAT2, CAT2)
    rows1 = gather1(word_table, hdr_ids, cat_ids)
    rows2 = gather2(word_table, cat_ids)

    nm = num_att_mask.astype(jnp.float32)
    bm = bin_att_mask.astype(jnp.float32)
    cm = cat_att_mask.astype(jnp.float32)
    emb1, mask1, p, q = _dense_half1(
        rows1, x_num, x_bin, nm, bm, cm,
        ln_g, ln_b, num_bias, bin_bias,
        W_num, b_num, W_cat, b_cat, W_bin, b_bin)
    emb, mask = _dense_half2(
        p, q, rows2, x_num, x_bin, cm,
        ln_g, ln_b, W_cat, b_cat, emb1, mask1)
    return emb, mask

# --- scband reference (transcript-rebuilt; emitter-appended) ---
"""Pipeline reference for scband-tab-transformer-feature-processor-29111288332634 (READ-ONLY COPY).

The authoritative reference and input builder live on the scoring server;
editing this copy changes nothing except your own understanding.
"""

import jax, jax.numpy as jnp
import numpy as np

VOCAB = 100000
HID = 128

def _layernorm(x, g, b, eps=1e-5):
    m = jnp.mean(x, axis=-1, keepdims=True)
    v = jnp.mean((x - m) ** 2, axis=-1, keepdims=True)
    return (x - m) / jnp.sqrt(v + eps) * g + b

def _avg_by_mask(embs, mask):
    embs = embs * mask[..., None]
    return jnp.sum(embs, axis=1) / jnp.sum(mask, axis=1, keepdims=True)

def setup_inputs(seed: int = 0):
    key = jax.random.key(seed)
    ks = jax.random.split(key, 16)
    bs, n_num, n_bin, cat_len, name_len = 1024, 100, 26, 50, 8
    inp = {}
    inp["x_num"] = jax.random.normal(ks[0], (bs, n_num), dtype=jnp.float32)
    inp["num_col_input_ids"] = jax.random.randint(ks[1], (n_num, name_len), 0, VOCAB)
    inp["num_att_mask"] = jnp.ones((n_num, name_len), jnp.float32)
    inp["x_cat_input_ids"] = jax.random.randint(ks[2], (bs, cat_len), 0, VOCAB)
    inp["cat_att_mask"] = jnp.ones((bs, cat_len), jnp.float32)
    inp["x_bin"] = (jax.random.uniform(ks[3], (bs, n_bin)) > 0.5).astype(jnp.float32)
    inp["x_bin_input_ids"] = jax.random.randint(ks[4], (n_bin, name_len), 0, VOCAB)
    inp["bin_att_mask"] = jnp.ones((n_bin, name_len), jnp.float32)
    tbl = jax.random.normal(ks[5], (VOCAB, HID), dtype=jnp.float32) * 0.02
    inp["word_table"] = tbl.at[0].set(0.0)  # padding_idx=0 row zeroed like nn.Embedding
    inp["ln_g"] = jnp.ones((HID,), jnp.float32)
    inp["ln_b"] = jnp.zeros((HID,), jnp.float32)
    r = 1.0 / np.sqrt(HID)
    inp["num_bias"] = jax.random.uniform(ks[6], (1, 1, HID), minval=-r, maxval=r, dtype=jnp.float32)
    inp["bin_bias"] = jax.random.uniform(ks[7], (1, 1, HID), minval=-r, maxval=r, dtype=jnp.float32)
    inp["W_num"] = jax.random.normal(ks[8], (HID, HID), dtype=jnp.float32) * 0.02
    inp["b_num"] = jnp.zeros((HID,), jnp.float32)
    inp["W_cat"] = jax.random.normal(ks[9], (HID, HID), dtype=jnp.float32) * 0.02
    inp["b_cat"] = jnp.zeros((HID,), jnp.float32)
    inp["W_bin"] = jax.random.normal(ks[10], (HID, HID), dtype=jnp.float32) * 0.02
    inp["b_bin"] = jnp.zeros((HID,), jnp.float32)
    return inp

def reference(x_num, num_col_input_ids, num_att_mask, x_cat_input_ids, cat_att_mask, x_bin, x_bin_input_ids, bin_att_mask, word_table, ln_g, ln_b, num_bias, bin_bias, W_num, b_num, W_cat, b_cat, W_bin, b_bin):
    # TransTabWordEmbedding: table lookup + LayerNorm (dropout prob = 0)
    def word_emb(ids):
        return _layernorm(jnp.take(word_table, ids, axis=0), ln_g, ln_b)

    # --- numerical columns, discrete_method == 'none', use_num_col_nms == True ---
    num_col_emb = _avg_by_mask(word_emb(num_col_input_ids), num_att_mask)          # [n_num, H]
    num_feat = num_col_emb[None, :, :] * x_num[:, :, None] + num_bias               # TransTabNumEmbedding
    num_feat = num_feat @ W_num + b_num                                             # align_num

    # --- categorical tokens ---
    cat_feat = word_emb(x_cat_input_ids)                                            # [bs, cat_len, H]
    cat_feat = cat_feat @ W_cat + b_cat                                             # align_cat

    # --- binary columns ---
    bin_col_emb = _avg_by_mask(word_emb(x_bin_input_ids), bin_att_mask)             # [n_bin, H]
    bin_feat = bin_col_emb[None, :, :] * x_bin[:, :, None] + bin_bias               # bin_embedding
    bin_feat = bin_feat @ W_bin + b_bin                                             # align_bin

    emb = jnp.concatenate([num_feat, bin_feat, cat_feat], axis=1).astype(jnp.float32)
    bs = emb.shape[0]
    attention_mask = jnp.concatenate([
        jnp.ones((bs, num_feat.shape[1]), jnp.float32),
        jnp.ones((bs, bin_feat.shape[1]), jnp.float32),
        cat_att_mask.astype(jnp.float32),
    ], axis=1)
    return emb, attention_mask

if __name__ == "__main__":
    import jax
    _d = setup_inputs()
    print(jax.jit(kernel)(*tuple(_d.values())))

</pallas_src>

<mosaic_0001>
#map = affine_map<(d0, d1) -> (0, 0)>
#map1 = affine_map<(d0, d1) -> (0)>
module attributes {stable_mosaic.version = 14 : i64} {
  func.func @gather_kernel(%arg0: i32, %arg1: i32, %arg2: memref<100000x128xf32, #tpu.memory_space<hbm>>, %arg3: memref<51200xi32, #tpu.memory_space<hbm>>, %arg4: memref<38400x128xf32, #tpu.memory_space<hbm>>, %arg5: memref<1200xi32, #tpu.memory_space<vmem>>, %arg6: memref<128x128xf32, #tpu.memory_space<vmem>>, %arg7: memref<128x128xf32, #tpu.memory_space<vmem>>, %arg8: memref<128x128xf32, #tpu.memory_space<vmem>>, %arg9: memref<128x128xf32, #tpu.memory_space<vmem>>, %arg10: memref<128x128xf32, #tpu.memory_space<vmem>>, %arg11: memref<!tpu.dma_semaphore, #tpu.memory_space<semaphore_mem>>, %arg12: memref<!tpu.dma_semaphore, #tpu.memory_space<semaphore_mem>>, %arg13: memref<!tpu.dma_semaphore, #tpu.memory_space<semaphore_mem>>, %arg14: memref<!tpu.dma_semaphore, #tpu.memory_space<semaphore_mem>>, %arg15: memref<!tpu.dma_semaphore, #tpu.memory_space<semaphore_mem>>, %arg16: memref<!tpu.dma_semaphore, #tpu.memory_space<semaphore_mem>>, %arg17: memref<!tpu.dma_semaphore, #tpu.memory_space<semaphore_mem>>, %arg18: memref<!tpu.dma_semaphore, #tpu.memory_space<semaphore_mem>>, %arg19: memref<!tpu.dma_semaphore, #tpu.memory_space<semaphore_mem>>, %arg20: memref<!tpu.dma_semaphore, #tpu.memory_space<semaphore_mem>>) attributes {dimension_semantics = [#tpu.dimension_semantics<core_parallel>, #tpu.dimension_semantics<subcore_parallel>], iteration_bounds = array<i64: 2, 16>, scalar_prefetch = 0 : i64, scratch_operands = 16 : i64, tpu.core_type = #tpu.core_type<sc_vector_subcore>, window_params = [{transform_indices = #map}, {transform_indices = #map1}, {transform_indices = #map}]} {
    %mul3A = arith.constant 2 : i32
    %mul3A_0 = arith.muli %arg1, %mul3A : i32
    %add3A = arith.addi %mul3A_0, %arg0 : i32
    %mul3A_1 = arith.constant 1200 : i32
    %mul3A_2 = arith.muli %add3A, %mul3A_1 : i32
    %add3A_3 = arith.constant 12800 : i32
    %add3A_4 = arith.addi %add3A_3, %mul3A_2 : i32
    "tpu.region"() ({
      %run_scoped3A = tpu.sem_alloc : memref<!tpu.dma_semaphore, #tpu.memory_space<semaphore_mem>>
      %dma_start3A_423 = arith.constant 0 : i32
      %dma_start3A_424 = tpu.memref_slice %arg5[%dma_start3A_423] : memref<1200xi32, #tpu.memory_space<vmem>> -> memref<1200xi32, #tpu.memory_space<vmem>>
      %dma_start3A_425 = tpu.memref_slice %arg3[%add3A_4] : memref<51200xi32, #tpu.memory_space<hbm>> -> memref<1200xi32, #tpu.memory_space<hbm>>
      %dma_start3A_426 = arith.constant 0 : i32
      %dma_start3A_427 = tpu.memref_slice %arg5[%dma_start3A_426] : memref<1200xi32, #tpu.memory_space<vmem>> -> memref<1200xi32, #tpu.memory_space<vmem>>
      %dma_start3A_428 = tpu.memref_slice %arg3[%add3A_4] : memref<51200xi32, #tpu.memory_space<hbm>> -> memref<1200xi32, #tpu.memory_space<hbm>>
      tpu.enqueue_dma source(%dma_start3A_428 : memref<1200xi32, #tpu.memory_space<hbm>>) target(%dma_start3A_427 : memref<1200xi32, #tpu.memory_space<vmem>>) target_semaphore(%run_scoped3A : memref<!tpu.dma_semaphore, #tpu.memory_space<semaphore_mem>>)
      %dma_wait3A_429 = arith.constant 0 : i32
      %dma_wait3A_430 = tpu.memref_slice %arg5[%dma_wait3A_429] : memref<1200xi32, #tpu.memory_space<vmem>> -> memref<1200xi32, #tpu.memory_space<vmem>>
      %dma_wait3A_431 = tpu.memref_slice %arg3[%add3A_4] : memref<51200xi32, #tpu.memory_space<hbm>> -> memref<1200xi32, #tpu.memory_space<hbm>>
      %dma_wait3A_432 = arith.constant 0 : i32
      %dma_wait3A_433 = tpu.memref_slice %arg5[%dma_wait3A_432] : memref<1200xi32, #tpu.memory_space<vmem>> -> memref<1200xi32, #tpu.memory_space<vmem>>
      %dma_wait3A_434 = tpu.memref_slice %arg3[%add3A_4] : memref<51200xi32, #tpu.memory_space<hbm>> -> memref<1200xi32, #tpu.memory_space<hbm>>
      tpu.wait_dma2 semaphore(%run_scoped3A : memref<!tpu.dma_semaphore, #tpu.memory_space<semaphore_mem>>) src(%dma_wait3A_434 : memref<1200xi32, #tpu.memory_space<hbm>>) dst(%dma_wait3A_433 : memref<1200xi32, #tpu.memory_space<vmem>>)
      tpu.yield
    }) : () -> ()
    %mul3A_5 = arith.constant 1200 : i32
    %mul3A_6 = arith.muli %add3A, %mul3A_5 : i32
    %add3A_7 = arith.constant 0 : i32
    %add3A_8 = arith.addi %add3A_7, %mul3A_6 : i32
    %add3A_9 = arith.constant 0 : i32
    %add3A_10 = arith.addi %add3A_8, %add3A_9 : i32
    %mul3A_11 = arith.constant 1200 : i32
    %mul3A_12 = arith.muli %add3A, %mul3A_11 : i32
    %add3A_13 = arith.constant 0 : i32
    %add3A_14 = arith.addi %add3A_13, %mul3A_12 : i32
    %add3A_15 = arith.constant 128 : i32
    %add3A_16 = arith.addi %add3A_14, %add3A_15 : i32
    %mul3A_17 = arith.constant 1200 : i32
    %mul3A_18 = arith.muli %add3A, %mul3A_17 : i32
    %add3A_19 = arith.constant 0 : i32
    %add3A_20 = arith.addi %add3A_19, %mul3A_18 : i32
    %add3A_21 = arith.constant 256 : i32
    %add3A_22 = arith.addi %add3A_20, %add3A_21 : i32
    %mul3A_23 = arith.constant 1200 : i32
    %mul3A_24 = arith.muli %add3A, %mul3A_23 : i32
    %add3A_25 = arith.constant 0 : i32
    %add3A_26 = arith.addi %add3A_25, %mul3A_24 : i32
    %add3A_27 = arith.constant 384 : i32
    %add3A_28 = arith.addi %add3A_26, %add3A_27 : i32
    %mul3A_29 = arith.constant 1200 : i32
    %mul3A_30 = arith.muli %add3A, %mul3A_29 : i32
    %add3A_31 = arith.constant 0 : i32
    %add3A_32 = arith.addi %add3A_31, %mul3A_30 : i32
    %add3A_33 = arith.constant 512 : i32
    %add3A_34 = arith.addi %add3A_32, %add3A_33 : i32
    %mul3A_35 = arith.constant 1200 : i32
    %mul3A_36 = arith.muli %add3A, %mul3A_35 : i32
    %add3A_37 = arith.constant 0 : i32
    %add3A_38 = arith.addi %add3A_37, %mul3A_36 : i32
    %add3A_39 = arith.constant 640 : i32
    %add3A_40 = arith.addi %add3A_38, %add3A_39 : i32
    %mul3A_41 = arith.constant 1200 : i32
    %mul3A_42 = arith.muli %add3A, %mul3A_41 : i32
    %add3A_43 = arith.constant 0 : i32
    %add3A_44 = arith.addi %add3A_43, %mul3A_42 : i32
    %add3A_45 = arith.constant 768 : i32
    %add3A_46 = arith.addi %add3A_44, %add3A_45 : i32
    %mul3A_47 = arith.constant 1200 : i32
    %mul3A_48 = arith.muli %add3A, %mul3A_47 : i32
    %add3A_49 = arith.constant 0 : i32
    %add3A_50 = arith.addi %add3A_49, %mul3A_48 : i32
    %add3A_51 = arith.constant 896 : i32
    %add3A_52 = arith.addi %add3A_50, %add3A_51 : i32
    %mul3A_53 = arith.constant 1200 : i32
    %mul3A_54 = arith.muli %add3A, %mul3A_53 : i32
    %add3A_55 = arith.constant 0 : i32
    %add3A_56 = arith.addi %add3A_55, %mul3A_54 : i32
    %add3A_57 = arith.constant 1024 : i32
    %add3A_58 = arith.addi %add3A_56, %add3A_57 : i32
    %mul3A_59 = arith.constant 1200 : i32
    %mul3A_60 = arith.muli %add3A, %mul3A_59 : i32
    %add3A_61 = arith.constant 0 : i32
    %add3A_62 = arith.addi %add3A_61, %mul3A_60 : i32
    %add3A_63 = arith.constant 1152 : i32
    %add3A_64 = arith.addi %add3A_62, %add3A_63 : i32
    %dma_start3A = arith.constant 0 : i32
    %dma_start3A_65 = arith.constant 0 : i32
    %dma_start3A_66 = tpu.memref_slice %arg6[%dma_start3A, %dma_start3A_65] : memref<128x128xf32, #tpu.memory_space<vmem>> -> memref<128x128xf32, #tpu.memory_space<vmem>>
    %dma_start3A_67 = arith.constant 0 : i32
    %dma_start3A_68 = tpu.memref_slice %arg5[%dma_start3A_67] : memref<1200xi32, #tpu.memory_space<vmem>> -> memref<128xi32, #tpu.memory_space<vmem>>
    %dma_start3A_69 = arith.constant 0 : i32
    %dma_start3A_70 = arith.constant 0 : i32
    %dma_start3A_71 = tpu.memref_slice %arg2[%dma_start3A_69, %dma_start3A_70] : memref<100000x128xf32, #tpu.memory_space<hbm>> -> memref<100000x128xf32, #tpu.memory_space<hbm>>
    tpu.enqueue_indirect_dma source(%dma_start3A_71 : memref<100000x128xf32, #tpu.memory_space<hbm>>) target(%dma_start3A_66 : memref<128x128xf32, #tpu.memory_space<vmem>>) offsets(%dma_start3A_68 : memref<128xi32, #tpu.memory_space<vmem>>) semaphore(%arg11 : memref<!tpu.dma_semaphore, #tpu.memory_space<semaphore_mem>>)
    %dma_start3A_72 = arith.constant 0 : i32
    %dma_start3A_73 = arith.constant 0 : i32
    %dma_start3A_74 = tpu.memref_slice %arg7[%dma_start3A_72, %dma_start3A_73] : memref<128x128xf32, #tpu.memory_space<vmem>> -> memref<128x128xf32, #tpu.memory_space<vmem>>
    %dma_start3A_75 = arith.constant 128 : i32
    %dma_start3A_76 = tpu.memref_slice %arg5[%dma_start3A_75] : memref<1200xi32, #tpu.memory_space<vmem>> -> memref<128xi32, #tpu.memory_space<vmem>>
    %dma_start3A_77 = arith.constant 0 : i32
    %dma_start3A_78 = arith.constant 0 : i32
    %dma_start3A_79 = tpu.memref_slice %arg2[%dma_start3A_77, %dma_start3A_78] : memref<100000x128xf32, #tpu.memory_space<hbm>> -> memref<100000x128xf32, #tpu.memory_space<hbm>>
    tpu.enqueue_indirect_dma source(%dma_start3A_79 : memref<100000x128xf32, #tpu.memory_space<hbm>>) target(%dma_start3A_74 : memref<128x128xf32, #tpu.memory_space<vmem>>) offsets(%dma_start3A_76 : memref<128xi32, #tpu.memory_space<vmem>>) semaphore(%arg12 : memref<!tpu.dma_semaphore, #tpu.memory_space<semaphore_mem>>)
    %dma_start3A_80 = arith.constant 0 : i32
    %dma_start3A_81 = arith.constant 0 : i32
    %dma_start3A_82 = tpu.memref_slice %arg8[%dma_start3A_80, %dma_start3A_81] : memref<128x128xf32, #tpu.memory_space<vmem>> -> memref<128x128xf32, #tpu.memory_space<vmem>>
    %dma_start3A_83 = arith.constant 256 : i32
    %dma_start3A_84 = tpu.memref_slice %arg5[%dma_start3A_83] : memref<1200xi32, #tpu.memory_space<vmem>> -> memref<128xi32, #tpu.memory_space<vmem>>
    %dma_start3A_85 = arith.constant 0 : i32
    %dma_start3A_86 = arith.constant 0 : i32
    %dma_start3A_87 = tpu.memref_slice %arg2[%dma_start3A_85, %dma_start3A_86] : memref<100000x128xf32, #tpu.memory_space<hbm>> -> memref<100000x128xf32, #tpu.memory_space<hbm>>
    tpu.enqueue_indirect_dma source(%dma_start3A_87 : memref<100000x128xf32, #tpu.memory_space<hbm>>) target(%dma_start3A_82 : memref<128x128xf32, #tpu.memory_space<vmem>>) offsets(%dma_start3A_84 : memref<128xi32, #tpu.memory_space<vmem>>) semaphore(%arg13 : memref<!tpu.dma_semaphore, #tpu.memory_space<semaphore_mem>>)
    %dma_start3A_88 = arith.constant 0 : i32
    %dma_start3A_89 = arith.constant 0 : i32
    %dma_start3A_90 = tpu.memref_slice %arg9[%dma_start3A_88, %dma_start3A_89] : memref<128x128xf32, #tpu.memory_space<vmem>> -> memref<128x128xf32, #tpu.memory_space<vmem>>
    %dma_start3A_91 = arith.constant 384 : i32
    %dma_start3A_92 = tpu.memref_slice %arg5[%dma_start3A_91] : memref<1200xi32, #tpu.memory_space<vmem>> -> memref<128xi32, #tpu.memory_space<vmem>>
    %dma_start3A_93 = arith.constant 0 : i32
    %dma_start3A_94 = arith.constant 0 : i32
    %dma_start3A_95 = tpu.memref_slice %arg2[%dma_start3A_93, %dma_start3A_94] : memref<100000x128xf32, #tpu.memory_space<hbm>> -> memref<100000x128xf32, #tpu.memory_space<hbm>>
    tpu.enqueue_indirect_dma source(%dma_start3A_95 : memref<100000x128xf32, #tpu.memory_space<hbm>>) target(%dma_start3A_90 : memref<128x128xf32, #tpu.memory_space<vmem>>) offsets(%dma_start3A_92 : memref<128xi32, #tpu.memory_space<vmem>>) semaphore(%arg14 : memref<!tpu.dma_semaphore, #tpu.memory_space<semaphore_mem>>)
    %dma_wait3A = arith.constant 0 : i32
    %dma_wait3A_96 = arith.constant 0 : i32
    %dma_wait3A_97 = tpu.memref_slice %arg6[%dma_wait3A, %dma_wait3A_96] : memref<128x128xf32, #tpu.memory_space<vmem>> -> memref<128x128xf32, #tpu.memory_space<vmem>>
    %dma_wait3A_98 = arith.constant 0 : i32
    %dma_wait3A_99 = tpu.memref_slice %arg5[%dma_wait3A_98] : memref<1200xi32, #tpu.memory_space<vmem>> -> memref<128xi32, #tpu.memory_space<vmem>>
    %dma_wait3A_100 = arith.constant 0 : i32
    %dma_wait3A_101 = arith.constant 0 : i32
    %dma_wait3A_102 = tpu.memref_slice %arg2[%dma_wait3A_100, %dma_wait3A_101] : memref<100000x128xf32, #tpu.memory_space<hbm>> -> memref<100000x128xf32, #tpu.memory_space<hbm>>
    tpu.wait_indirect_dma semaphore(%arg11 : memref<!tpu.dma_semaphore, #tpu.memory_space<semaphore_mem>>) src(%dma_wait3A_102 : memref<100000x128xf32, #tpu.memory_space<hbm>>) dst(%dma_wait3A_97 : memref<128x128xf32, #tpu.memory_space<vmem>>)
    %dma_start3A_103 = arith.constant 0 : i32
    %dma_start3A_104 = arith.constant 0 : i32
    %dma_start3A_105 = tpu.memref_slice %arg6[%dma_start3A_103, %dma_start3A_104] : memref<128x128xf32, #tpu.memory_space<vmem>> -> memref<128x128xf32, #tpu.memory_space<vmem>>
    %dma_start3A_106 = arith.constant 0 : i32
    %dma_start3A_107 = tpu.memref_slice %arg4[%add3A_10, %dma_start3A_106] : memref<38400x128xf32, #tpu.memory_space<hbm>> -> memref<128x128xf32, #tpu.memory_space<hbm>>
    %dma_start3A_108 = arith.constant 0 : i32
    %dma_start3A_109 = tpu.memref_slice %arg4[%add3A_10, %dma_start3A_108] : memref<38400x128xf32, #tpu.memory_space<hbm>> -> memref<128x128xf32, #tpu.memory_space<hbm>>
    %dma_start3A_110 = arith.constant 0 : i32
    %dma_start3A_111 = arith.constant 0 : i32
    %dma_start3A_112 = tpu.memref_slice %arg6[%dma_start3A_110, %dma_start3A_111] : memref<128x128xf32, #tpu.memory_space<vmem>> -> memref<128x128xf32, #tpu.memory_space<vmem>>
    tpu.enqueue_dma source(%dma_start3A_112 : memref<128x128xf32, #tpu.memory_space<vmem>>) target(%dma_start3A_109 : memref<128x128xf32, #tpu.memory_space<hbm>>) target_semaphore(%arg16 : memref<!tpu.dma_semaphore, #tpu.memory_space<semaphore_mem>>)
    %dma_start3A_113 = arith.constant 0 : i32
    %dma_start3A_114 = arith.constant 0 : i32
    %dma_start3A_115 = tpu.memref_slice %arg10[%dma_start3A_113, %dma_start3A_114] : memref<128x128xf32, #tpu.memory_space<vmem>> -> memref<128x128xf32, #tpu.memory_space<vmem>>
    %dma_start3A_116 = arith.constant 512 : i32
    %dma_start3A_117 = tpu.memref_slice %arg5[%dma_start3A_116] : memref<1200xi32, #tpu.memory_space<vmem>> -> memref<128xi32, #tpu.memory_space<vmem>>
    %dma_start3A_118 = arith.constant 0 : i32
    %dma_start3A_119 = arith.constant 0 : i32
    %dma_start3A_120 = tpu.memref_slice %arg2[%dma_start3A_118, %dma_start3A_119] : memref<100000x128xf32, #tpu.memory_space<hbm>> -> memref<100000x128xf32, #tpu.memory_space<hbm>>
    tpu.enqueue_indirect_dma source(%dma_start3A_120 : memref<100000x128xf32, #tpu.memory_space<hbm>>) target(%dma_start3A_115 : memref<128x128xf32, #tpu.memory_space<vmem>>) offsets(%dma_start3A_117 : memref<128xi32, #tpu.memory_space<vmem>>) semaphore(%arg15 : memref<!tpu.dma_semaphore, #tpu.memory_space<semaphore_mem>>)
    %dma_wait3A_121 = arith.constant 0 : i32
    %dma_wait3A_122 = arith.constant 0 : i32
    %dma_wait3A_123 = tpu.memref_slice %arg7[%dma_wait3A_121, %dma_wait3A_122] : memref<128x128xf32, #tpu.memory_space<vmem>> -> memref<128x128xf32, #tpu.memory_space<vmem>>
    %dma_wait3A_124 = arith.constant 128 : i32
    %dma_wait3A_125 = tpu.memref_slice %arg5[%dma_wait3A_124] : memref<1200xi32, #tpu.memory_space<vmem>> -> memref<128xi32, #tpu.memory_space<vmem>>
    %dma_wait3A_126 = arith.constant 0 : i32
    %dma_wait3A_127 = arith.constant 0 : i32
    %dma_wait3A_128 = tpu.memref_slice %arg2[%dma_wait3A_126, %dma_wait3A_127] : memref<100000x128xf32, #tpu.memory_space<hbm>> -> memref<100000x128xf32, #tpu.memory_space<hbm>>
    tpu.wait_indirect_dma semaphore(%arg12 : memref<!tpu.dma_semaphore, #tpu.memory_space<semaphore_mem>>) src(%dma_wait3A_128 : memref<100000x128xf32, #tpu.memory_space<hbm>>) dst(%dma_wait3A_123 : memref<128x128xf32, #tpu.memory_space<vmem>>)
    %dma_start3A_129 = arith.constant 0 : i32
    %dma_start3A_130 = arith.constant 0 : i32
    %dma_start3A_131 = tpu.memref_slice %arg7[%dma_start3A_129, %dma_start3A_130] : memref<128x128xf32, #tpu.memory_space<vmem>> -> memref<128x128xf32, #tpu.memory_space<vmem>>
    %dma_start3A_132 = arith.constant 0 : i32
    %dma_start3A_133 = tpu.memref_slice %arg4[%add3A_16, %dma_start3A_132] : memref<38400x128xf32, #tpu.memory_space<hbm>> -> memref<128x128xf32, #tpu.memory_space<hbm>>
    %dma_start3A_134 = arith.constant 0 : i32
    %dma_start3A_135 = tpu.memref_slice %arg4[%add3A_16, %dma_start3A_134] : memref<38400x128xf32, #tpu.memory_space<hbm>> -> memref<128x128xf32, #tpu.memory_space<hbm>>
    %dma_start3A_136 = arith.constant 0 : i32
    %dma_start3A_137 = arith.constant 0 : i32
    %dma_start3A_138 = tpu.memref_slice %arg7[%dma_start3A_136, %dma_start3A_137] : memref<128x128xf32, #tpu.memory_space<vmem>> -> memref<128x128xf32, #tpu.memory_space<vmem>>
    tpu.enqueue_dma source(%dma_start3A_138 : memref<128x128xf32, #tpu.memory_space<vmem>>) target(%dma_start3A_135 : memref<128x128xf32, #tpu.memory_space<hbm>>) target_semaphore(%arg17 : memref<!tpu.dma_semaphore, #tpu.memory_space<semaphore_mem>>)
    %dma_wait3A_139 = arith.constant 0 : i32
    %dma_wait3A_140 = arith.constant 0 : i32
    %dma_wait3A_141 = tpu.memref_slice %arg6[%dma_wait3A_139, %dma_wait3A_140] : memref<128x128xf32, #tpu.memory_space<vmem>> -> memref<128x128xf32, #tpu.memory_space<vmem>>
    %dma_wait3A_142 = arith.constant 0 : i32
    %dma_wait3A_143 = tpu.memref_slice %arg4[%add3A_10, %dma_wait3A_142] : memref<38400x128xf32, #tpu.memory_space<hbm>> -> memref<128x128xf32, #tpu.memory_space<hbm>>
    %dma_wait3A_144 = arith.constant 0 : i32
    %dma_wait3A_145 = tpu.memref_slice %arg4[%add3A_10, %dma_wait3A_144] : memref<38400x128xf32, #tpu.memory_space<hbm>> -> memref<128x128xf32, #tpu.memory_space<hbm>>
    %dma_wait3A_146 = arith.constant 0 : i32
    %dma_wait3A_147 = arith.constant 0 : i32
    %dma_wait3A_148 = tpu.memref_slice %arg6[%dma_wait3A_146, %dma_wait3A_147] : memref<128x128xf32, #tpu.memory_space<vmem>> -> memref<128x128xf32, #tpu.memory_space<vmem>>
    tpu.wait_dma2 semaphore(%arg16 : memref<!tpu.dma_semaphore, #tpu.memory_space<semaphore_mem>>) src(%dma_wait3A_148 : memref<128x128xf32, #tpu.memory_space<vmem>>) dst(%dma_wait3A_145 : memref<128x128xf32, #tpu.memory_space<hbm>>)
    %dma_start3A_149 = arith.constant 0 : i32
    %dma_start3A_150 = arith.constant 0 : i32
    %dma_start3A_151 = tpu.memref_slice %arg6[%dma_start3A_149, %dma_start3A_150] : memref<128x128xf32, #tpu.memory_space<vmem>> -> memref<128x128xf32, #tpu.memory_space<vmem>>
    %dma_start3A_152 = arith.constant 640 : i32
    %dma_start3A_153 = tpu.memref_slice %arg5[%dma_start3A_152] : memref<1200xi32, #tpu.memory_space<vmem>> -> memref<128xi32, #tpu.memory_space<vmem>>
    %dma_start3A_154 = arith.constant 0 : i32
    %dma_start3A_155 = arith.constant 0 : i32
    %dma_start3A_156 = tpu.memref_slice %arg2[%dma_start3A_154, %dma_start3A_155] : memref<100000x128xf32, #tpu.memory_space<hbm>> -> memref<100000x128xf32, #tpu.memory_space<hbm>>
    tpu.enqueue_indirect_dma source(%dma_start3A_156 : memref<100000x128xf32, #tpu.memory_space<hbm>>) target(%dma_start3A_151 : memref<128x128xf32, #tpu.memory_space<vmem>>) offsets(%dma_start3A_153 : memref<128xi32, #tpu.memory_space<vmem>>) semaphore(%arg11 : memref<!tpu.dma_semaphore, #tpu.memory_space<semaphore_mem>>)
    %dma_wait3A_157 = arith.constant 0 : i32
    %dma_wait3A_158 = arith.constant 0 : i32
    %dma_wait3A_159 = tpu.memref_slice %arg8[%dma_wait3A_157, %dma_wait3A_158] : memref<128x128xf32, #tpu.memory_space<vmem>> -> memref<128x128xf32, #tpu.memory_space<vmem>>
    %dma_wait3A_160 = arith.constant 256 : i32
    %dma_wait3A_161 = tpu.memref_slice %arg5[%dma_wait3A_160] : memref<1200xi32, #tpu.memory_space<vmem>> -> memref<128xi32, #tpu.memory_space<vmem>>
    %dma_wait3A_162 = arith.constant 0 : i32
    %dma_wait3A_163 = arith.constant 0 : i32
    %dma_wait3A_164 = tpu.memref_slice %arg2[%dma_wait3A_162, %dma_wait3A_163] : memref<100000x128xf32, #tpu.memory_space<hbm>> -> memref<100000x128xf32, #tpu.memory_space<hbm>>
    tpu.wait_indirect_dma semaphore(%arg13 : memref<!tpu.dma_semaphore, #tpu.memory_space<semaphore_mem>>) src(%dma_wait3A_164 : memref<100000x128xf32, #tpu.memory_space<hbm>>) dst(%dma_wait3A_159 : memref<128x128xf32, #tpu.memory_space<vmem>>)
    %dma_start3A_165 = arith.constant 0 : i32
    %dma_start3A_166 = arith.constant 0 : i32
    %dma_start3A_167 = tpu.memref_slice %arg8[%dma_start3A_165, %dma_start3A_166] : memref<128x128xf32, #tpu.memory_space<vmem>> -> memref<128x128xf32, #tpu.memory_space<vmem>>
    %dma_start3A_168 = arith.constant 0 : i32
    %dma_start3A_169 = tpu.memref_slice %arg4[%add3A_22, %dma_start3A_168] : memref<38400x128xf32, #tpu.memory_space<hbm>> -> memref<128x128xf32, #tpu.memory_space<hbm>>
    %dma_start3A_170 = arith.constant 0 : i32
    %dma_start3A_171 = tpu.memref_slice %arg4[%add3A_22, %dma_start3A_170] : memref<38400x128xf32, #tpu.memory_space<hbm>> -> memref<128x128xf32, #tpu.memory_space<hbm>>
    %dma_start3A_172 = arith.constant 0 : i32
    %dma_start3A_173 = arith.constant 0 : i32
    %dma_start3A_174 = tpu.memref_slice %arg8[%dma_start3A_172, %dma_start3A_173] : memref<128x128xf32, #tpu.memory_space<vmem>> -> memref<128x128xf32, #tpu.memory_space<vmem>>
    tpu.enqueue_dma source(%dma_start3A_174 : memref<128x128xf32, #tpu.memory_space<vmem>>) target(%dma_start3A_171 : memref<128x128xf32, #tpu.memory_space<hbm>>) target_semaphore(%arg18 : memref<!tpu.dma_semaphore, #tpu.memory_space<semaphore_mem>>)
    %dma_wait3A_175 = arith.constant 0 : i32
    %dma_wait3A_176 = arith.constant 0 : i32
    %dma_wait3A_177 = tpu.memref_slice %arg7[%dma_wait3A_175, %dma_wait3A_176] : memref<128x128xf32, #tpu.memory_space<vmem>> -> memref<128x128xf32, #tpu.memory_space<vmem>>
    %dma_wait3A_178 = arith.constant 0 : i32
    %dma_wait3A_179 = tpu.memref_slice %arg4[%add3A_16, %dma_wait3A_178] : memref<38400x128xf32, #tpu.memory_space<hbm>> -> memref<128x128xf32, #tpu.memory_space<hbm>>
    %dma_wait3A_180 = arith.constant 0 : i32
    %dma_wait3A_181 = tpu.memref_slice %arg4[%add3A_16, %dma_wait3A_180] : memref<38400x128xf32, #tpu.memory_space<hbm>> -> memref<128x128xf32, #tpu.memory_space<hbm>>
    %dma_wait3A_182 = arith.constant 0 : i32
    %dma_wait3A_183 = arith.constant 0 : i32
    %dma_wait3A_184 = tpu.memref_slice %arg7[%dma_wait3A_182, %dma_wait3A_183] : memref<128x128xf32, #tpu.memory_space<vmem>> -> memref<128x128xf32, #tpu.memory_space<vmem>>
    tpu.wait_dma2 semaphore(%arg17 : memref<!tpu.dma_semaphore, #tpu.memory_space<semaphore_mem>>) src(%dma_wait3A_184 : memref<128x128xf32, #tpu.memory_space<vmem>>) dst(%dma_wait3A_181 : memref<128x128xf32, #tpu.memory_space<hbm>>)
    %dma_start3A_185 = arith.constant 0 : i32
    %dma_start3A_186 = arith.constant 0 : i32
    %dma_start3A_187 = tpu.memref_slice %arg7[%dma_start3A_185, %dma_start3A_186] : memref<128x128xf32, #tpu.memory_space<vmem>> -> memref<128x128xf32, #tpu.memory_space<vmem>>
    %dma_start3A_188 = arith.constant 768 : i32
    %dma_start3A_189 = tpu.memref_slice %arg5[%dma_start3A_188] : memref<1200xi32, #tpu.memory_space<vmem>> -> memref<128xi32, #tpu.memory_space<vmem>>
    %dma_start3A_190 = arith.constant 0 : i32
    %dma_start3A_191 = arith.constant 0 : i32
    %dma_start3A_192 = tpu.memref_slice %arg2[%dma_start3A_190, %dma_start3A_191] : memref<100000x128xf32, #tpu.memory_space<hbm>> -> memref<100000x128xf32, #tpu.memory_space<hbm>>
    tpu.enqueue_indirect_dma source(%dma_start3A_192 : memref<100000x128xf32, #tpu.memory_space<hbm>>) target(%dma_start3A_187 : memref<128x128xf32, #tpu.memory_space<vmem>>) offsets(%dma_start3A_189 : memref<128xi32, #tpu.memory_space<vmem>>) semaphore(%arg12 : memref<!tpu.dma_semaphore, #tpu.memory_space<semaphore_mem>>)
    %dma_wait3A_193 = arith.constant 0 : i32
    %dma_wait3A_194 = arith.constant 0 : i32
    %dma_wait3A_195 = tpu.memref_slice %arg9[%dma_wait3A_193, %dma_wait3A_194] : memref<128x128xf32, #tpu.memory_space<vmem>> -> memref<128x128xf32, #tpu.memory_space<vmem>>
    %dma_wait3A_196 = arith.constant 384 : i32
    %dma_wait3A_197 = tpu.memref_slice %arg5[%dma_wait3A_196] : memref<1200xi32, #tpu.memory_space<vmem>> -> memref<128xi32, #tpu.memory_space<vmem>>
    %dma_wait3A_198 = arith.constant 0 : i32
    %dma_wait3A_199 = arith.constant 0 : i32
    %dma_wait3A_200 = tpu.memref_slice %arg2[%dma_wait3A_198, %dma_wait3A_199] : memref<100000x128xf32, #tpu.memory_space<hbm>> -> memref<100000x128xf32, #tpu.memory_space<hbm>>
    tpu.wait_indirect_dma semaphore(%arg14 : memref<!tpu.dma_semaphore, #tpu.memory_space<semaphore_mem>>) src(%dma_wait3A_200 : memref<100000x128xf32, #tpu.memory_space<hbm>>) dst(%dma_wait3A_195 : memref<128x128xf32, #tpu.memory_space<vmem>>)
    %dma_start3A_201 = arith.constant 0 : i32
    %dma_start3A_202 = arith.constant 0 : i32
    %dma_start3A_203 = tpu.memref_slice %arg9[%dma_start3A_201, %dma_start3A_202] : memref<128x128xf32, #tpu.memory_space<vmem>> -> memref<128x128xf32, #tpu.memory_space<vmem>>
    %dma_start3A_204 = arith.constant 0 : i32
    %dma_start3A_205 = tpu.memref_slice %arg4[%add3A_28, %dma_start3A_204] : memref<38400x128xf32, #tpu.memory_space<hbm>> -> memref<128x128xf32, #tpu.memory_space<hbm>>
    %dma_start3A_206 = arith.constant 0 : i32
    %dma_start3A_207 = tpu.memref_slice %arg4[%add3A_28, %dma_start3A_206] : memref<38400x128xf32, #tpu.memory_space<hbm>> -> memref<128x128xf32, #tpu.memory_space<hbm>>
    %dma_start3A_208 = arith.constant 0 : i32
    %dma_start3A_209 = arith.constant 0 : i32
    %dma_start3A_210 = tpu.memref_slice %arg9[%dma_start3A_208, %dma_start3A_209] : memref<128x128xf32, #tpu.memory_space<vmem>> -> memref<128x128xf32, #tpu.memory_space<vmem>>
    tpu.enqueue_dma source(%dma_start3A_210 : memref<128x128xf32, #tpu.memory_space<vmem>>) target(%dma_start3A_207 : memref<128x128xf32, #tpu.memory_space<hbm>>) target_semaphore(%arg19 : memref<!tpu.dma_semaphore, #tpu.memory_space<semaphore_mem>>)
    %dma_wait3A_211 = arith.constant 0 : i32
    %dma_wait3A_212 = arith.constant 0 : i32
    %dma_wait3A_213 = tpu.memref_slice %arg8[%dma_wait3A_211, %dma_wait3A_212] : memref<128x128xf32, #tpu.memory_space<vmem>> -> memref<128x128xf32, #tpu.memory_space<vmem>>
    %dma_wait3A_214 = arith.constant 0 : i32
    %dma_wait3A_215 = tpu.memref_slice %arg4[%add3A_22, %dma_wait3A_214] : memref<38400x128xf32, #tpu.memory_space<hbm>> -> memref<128x128xf32, #tpu.memory_space<hbm>>
    %dma_wait3A_216 = arith.constant 0 : i32
    %dma_wait3A_217 = tpu.memref_slice %arg4[%add3A_22, %dma_wait3A_216] : memref<38400x128xf32, #tpu.memory_space<hbm>> -> memref<128x128xf32, #tpu.memory_space<hbm>>
    %dma_wait3A_218 = arith.constant 0 : i32
    %dma_wait3A_219 = arith.constant 0 : i32
    %dma_wait3A_220 = tpu.memref_slice %arg8[%dma_wait3A_218, %dma_wait3A_219] : memref<128x128xf32, #tpu.memory_space<vmem>> -> memref<128x128xf32, #tpu.memory_space<vmem>>
    tpu.wait_dma2 semaphore(%arg18 : memref<!tpu.dma_semaphore, #tpu.memory_space<semaphore_mem>>) src(%dma_wait3A_220 : memref<128x128xf32, #tpu.memory_space<vmem>>) dst(%dma_wait3A_217 : memref<128x128xf32, #tpu.memory_space<hbm>>)
    %dma_start3A_221 = arith.constant 0 : i32
    %dma_start3A_222 = arith.constant 0 : i32
    %dma_start3A_223 = tpu.memref_slice %arg8[%dma_start3A_221, %dma_start3A_222] : memref<128x128xf32, #tpu.memory_space<vmem>> -> memref<128x128xf32, #tpu.memory_space<vmem>>
    %dma_start3A_224 = arith.constant 896 : i32
    %dma_start3A_225 = tpu.memref_slice %arg5[%dma_start3A_224] : memref<1200xi32, #tpu.memory_space<vmem>> -> memref<128xi32, #tpu.memory_space<vmem>>
    %dma_start3A_226 = arith.constant 0 : i32
    %dma_start3A_227 = arith.constant 0 : i32
    %dma_start3A_228 = tpu.memref_slice %arg2[%dma_start3A_226, %dma_start3A_227] : memref<100000x128xf32, #tpu.memory_space<hbm>> -> memref<100000x128xf32, #tpu.memory_space<hbm>>
    tpu.enqueue_indirect_dma source(%dma_start3A_228 : memref<100000x128xf32, #tpu.memory_space<hbm>>) target(%dma_start3A_223 : memref<128x128xf32, #tpu.memory_space<vmem>>) offsets(%dma_start3A_225 : memref<128xi32, #tpu.memory_space<vmem>>) semaphore(%arg13 : memref<!tpu.dma_semaphore, #tpu.memory_space<semaphore_mem>>)
    %dma_wait3A_229 = arith.constant 0 : i32
    %dma_wait3A_230 = arith.constant 0 : i32
    %dma_wait3A_231 = tpu.memref_slice %arg10[%dma_wait3A_229, %dma_wait3A_230] : memref<128x128xf32, #tpu.memory_space<vmem>> -> memref<128x128xf32, #tpu.memory_space<vmem>>
    %dma_wait3A_232 = arith.constant 512 : i32
    %dma_wait3A_233 = tpu.memref_slice %arg5[%dma_wait3A_232] : memref<1200xi32, #tpu.memory_space<vmem>> -> memref<128xi32, #tpu.memory_space<vmem>>
    %dma_wait3A_234 = arith.constant 0 : i32
    %dma_wait3A_235 = arith.constant 0 : i32
    %dma_wait3A_236 = tpu.memref_slice %arg2[%dma_wait3A_234, %dma_wait3A_235] : memref<100000x128xf32, #tpu.memory_space<hbm>> -> memref<100000x128xf32, #tpu.memory_space<hbm>>
    tpu.wait_indirect_dma semaphore(%arg15 : memref<!tpu.dma_semaphore, #tpu.memory_space<semaphore_mem>>) src(%dma_wait3A_236 : memref<100000x128xf32, #tpu.memory_space<hbm>>) dst(%dma_wait3A_231 : memref<128x128xf32, #tpu.memory_space<vmem>>)
    %dma_start3A_237 = arith.constant 0 : i32
    %dma_start3A_238 = arith.constant 0 : i32
    %dma_start3A_239 = tpu.memref_slice %arg10[%dma_start3A_237, %dma_start3A_238] : memref<128x128xf32, #tpu.memory_space<vmem>> -> memref<128x128xf32, #tpu.memory_space<vmem>>
    %dma_start3A_240 = arith.constant 0 : i32
    %dma_start3A_241 = tpu.memref_slice %arg4[%add3A_34, %dma_start3A_240] : memref<38400x128xf32, #tpu.memory_space<hbm>> -> memref<128x128xf32, #tpu.memory_space<hbm>>
    %dma_start3A_242 = arith.constant 0 : i32
    %dma_start3A_243 = tpu.memref_slice %arg4[%add3A_34, %dma_start3A_242] : memref<38400x128xf32, #tpu.memory_space<hbm>> -> memref<128x128xf32, #tpu.memory_space<hbm>>
    %dma_start3A_244 = arith.constant 0 : i32
    %dma_start3A_245 = arith.constant 0 : i32
    %dma_start3A_246 = tpu.memref_slice %arg10[%dma_start3A_244, %dma_start3A_245] : memref<128x128xf32, #tpu.memory_space<vmem>> -> memref<128x128xf32, #tpu.memory_space<vmem>>
    tpu.enqueue_dma source(%dma_start3A_246 : memref<128x128xf32, #tpu.memory_space<vmem>>) target(%dma_start3A_243 : memref<128x128xf32, #tpu.memory_space<hbm>>) target_semaphore(%arg20 : memref<!tpu.dma_semaphore, #tpu.memory_space<semaphore_mem>>)
    %dma_wait3A_247 = arith.constant 0 : i32
    %dma_wait3A_248 = arith.constant 0 : i32
    %dma_wait3A_249 = tpu.memref_slice %arg9[%dma_wait3A_247, %dma_wait3A_248] : memref<128x128xf32, #tpu.memory_space<vmem>> -> memref<128x128xf32, #tpu.memory_space<vmem>>
    %dma_wait3A_250 = arith.constant 0 : i32
    %dma_wait3A_251 = tpu.memref_slice %arg4[%add3A_28, %dma_wait3A_250] : memref<38400x128xf32, #tpu.memory_space<hbm>> -> memref<128x128xf32, #tpu.memory_space<hbm>>
    %dma_wait3A_252 = arith.constant 0 : i32
    %dma_wait3A_253 = tpu.memref_slice %arg4[%add3A_28, %dma_wait3A_252] : memref<38400x128xf32, #tpu.memory_space<hbm>> -> memref<128x128xf32, #tpu.memory_space<hbm>>
    %dma_wait3A_254 = arith.constant 0 : i32
    %dma_wait3A_255 = arith.constant 0 : i32
    %dma_wait3A_256 = tpu.memref_slice %arg9[%dma_wait3A_254, %dma_wait3A_255] : memref<128x128xf32, #tpu.memory_space<vmem>> -> memref<128x128xf32, #tpu.memory_space<vmem>>
    tpu.wait_dma2 semaphore(%arg19 : memref<!tpu.dma_semaphore, #tpu.memory_space<semaphore_mem>>) src(%dma_wait3A_256 : memref<128x128xf32, #tpu.memory_space<vmem>>) dst(%dma_wait3A_253 : memref<128x128xf32, #tpu.memory_space<hbm>>)
    %dma_start3A_257 = arith.constant 0 : i32
    %dma_start3A_258 = arith.constant 0 : i32
    %dma_start3A_259 = tpu.memref_slice %arg9[%dma_start3A_257, %dma_start3A_258] : memref<128x128xf32, #tpu.memory_space<vmem>> -> memref<128x128xf32, #tpu.memory_space<vmem>>
    %dma_start3A_260 = arith.constant 1024 : i32
    %dma_start3A_261 = tpu.memref_slice %arg5[%dma_start3A_260] : memref<1200xi32, #tpu.memory_space<vmem>> -> memref<128xi32, #tpu.memory_space<vmem>>
    %dma_start3A_262 = arith.constant 0 : i32
    %dma_start3A_263 = arith.constant 0 : i32
    %dma_start3A_264 = tpu.memref_slice %arg2[%dma_start3A_262, %dma_start3A_263] : memref<100000x128xf32, #tpu.memory_space<hbm>> -> memref<100000x128xf32, #tpu.memory_space<hbm>>
    tpu.enqueue_indirect_dma source(%dma_start3A_264 : memref<100000x128xf32, #tpu.memory_space<hbm>>) target(%dma_start3A_259 : memref<128x128xf32, #tpu.memory_space<vmem>>) offsets(%dma_start3A_261 : memref<128xi32, #tpu.memory_space<vmem>>) semaphore(%arg14 : memref<!tpu.dma_semaphore, #tpu.memory_space<semaphore_mem>>)
    %dma_wait3A_265 = arith.constant 0 : i32
    %dma_wait3A_266 = arith.constant 0 : i32
    %dma_wait3A_267 = tpu.memref_slice %arg6[%dma_wait3A_265, %dma_wait3A_266] : memref<128x128xf32, #tpu.memory_space<vmem>> -> memref<128x128xf32, #tpu.memory_space<vmem>>
    %dma_wait3A_268 = arith.constant 640 : i32
    %dma_wait3A_269 = tpu.memref_slice %arg5[%dma_wait3A_268] : memref<1200xi32, #tpu.memory_space<vmem>> -> memref<128xi32, #tpu.memory_space<vmem>>
    %dma_wait3A_270 = arith.constant 0 : i32
    %dma_wait3A_271 = arith.constant 0 : i32
    %dma_wait3A_272 = tpu.memref_slice %arg2[%dma_wait3A_270, %dma_wait3A_271] : memref<100000x128xf32, #tpu.memory_space<hbm>> -> memref<100000x128xf32, #tpu.memory_space<hbm>>
    tpu.wait_indirect_dma semaphore(%arg11 : memref<!tpu.dma_semaphore, #tpu.memory_space<semaphore_mem>>) src(%dma_wait3A_272 : memref<100000x128xf32, #tpu.memory_space<hbm>>) dst(%dma_wait3A_267 : memref<128x128xf32, #tpu.memory_space<vmem>>)
    %dma_start3A_273 = arith.constant 0 : i32
    %dma_start3A_274 = arith.constant 0 : i32
    %dma_start3A_275 = tpu.memref_slice %arg6[%dma_start3A_273, %dma_start3A_274] : memref<128x128xf32, #tpu.memory_space<vmem>> -> memref<128x128xf32, #tpu.memory_space<vmem>>
    %dma_start3A_276 = arith.constant 0 : i32
    %dma_start3A_277 = tpu.memref_slice %arg4[%add3A_40, %dma_start3A_276] : memref<38400x128xf32, #tpu.memory_space<hbm>> -> memref<128x128xf32, #tpu.memory_space<hbm>>
    %dma_start3A_278 = arith.constant 0 : i32
    %dma_start3A_279 = tpu.memref_slice %arg4[%add3A_40, %dma_start3A_278] : memref<38400x128xf32, #tpu.memory_space<hbm>> -> memref<128x128xf32, #tpu.memory_space<hbm>>
    %dma_start3A_280 = arith.constant 0 : i32
    %dma_start3A_281 = arith.constant 0 : i32
    %dma_start3A_282 = tpu.memref_slice %arg6[%dma_start3A_280, %dma_start3A_281] : memref<128x128xf32, #tpu.memory_space<vmem>> -> memref<128x128xf32, #tpu.memory_space<vmem>>
    tpu.enqueue_dma source(%dma_start3A_282 : memref<128x128xf32, #tpu.memory_space<vmem>>) target(%dma_start3A_279 : memref<128x128xf32, #tpu.memory_space<hbm>>) target_semaphore(%arg16 : memref<!tpu.dma_semaphore, #tpu.memory_space<semaphore_mem>>)
    %dma_wait3A_283 = arith.constant 0 : i32
    %dma_wait3A_284 = arith.constant 0 : i32
    %dma_wait3A_285 = tpu.memref_slice %arg10[%dma_wait3A_283, %dma_wait3A_284] : memref<128x128xf32, #tpu.memory_space<vmem>> -> memref<128x128xf32, #tpu.memory_space<vmem>>
    %dma_wait3A_286 = arith.constant 0 : i32
    %dma_wait3A_287 = tpu.memref_slice %arg4[%add3A_34, %dma_wait3A_286] : memref<38400x128xf32, #tpu.memory_space<hbm>> -> memref<128x128xf32, #tpu.memory_space<hbm>>
    %dma_wait3A_288 = arith.constant 0 : i32
    %dma_wait3A_289 = tpu.memref_slice %arg4[%add3A_34, %dma_wait3A_288] : memref<38400x128xf32, #tpu.memory_space<hbm>> -> memref<128x128xf32, #tpu.memory_space<hbm>>
    %dma_wait3A_290 = arith.constant 0 : i32
    %dma_wait3A_291 = arith.constant 0 : i32
    %dma_wait3A_292 = tpu.memref_slice %arg10[%dma_wait3A_290, %dma_wait3A_291] : memref<128x128xf32, #tpu.memory_space<vmem>> -> memref<128x128xf32, #tpu.memory_space<vmem>>
    tpu.wait_dma2 semaphore(%arg20 : memref<!tpu.dma_semaphore, #tpu.memory_space<semaphore_mem>>) src(%dma_wait3A_292 : memref<128x128xf32, #tpu.memory_space<vmem>>) dst(%dma_wait3A_289 : memref<128x128xf32, #tpu.memory_space<hbm>>)
    %dma_start3A_293 = arith.constant 0 : i32
    %dma_start3A_294 = arith.constant 0 : i32
    %dma_start3A_295 = tpu.memref_slice %arg10[%dma_start3A_293, %dma_start3A_294] : memref<128x128xf32, #tpu.memory_space<vmem>> -> memref<48x128xf32, #tpu.memory_space<vmem>>
    %dma_start3A_296 = arith.constant 1152 : i32
    %dma_start3A_297 = tpu.memref_slice %arg5[%dma_start3A_296] : memref<1200xi32, #tpu.memory_space<vmem>> -> memref<48xi32, #tpu.memory_space<vmem>>
    %dma_start3A_298 = arith.constant 0 : i32
    %dma_start3A_299 = arith.constant 0 : i32
    %dma_start3A_300 = tpu.memref_slice %arg2[%dma_start3A_298, %dma_start3A_299] : memref<100000x128xf32, #tpu.memory_space<hbm>> -> memref<100000x128xf32, #tpu.memory_space<hbm>>
    tpu.enqueue_indirect_dma source(%dma_start3A_300 : memref<100000x128xf32, #tpu.memory_space<hbm>>) target(%dma_start3A_295 : memref<48x128xf32, #tpu.memory_space<vmem>>) offsets(%dma_start3A_297 : memref<48xi32, #tpu.memory_space<vmem>>) semaphore(%arg15 : memref<!tpu.dma_semaphore, #tpu.memory_space<semaphore_mem>>)
    %dma_wait3A_301 = arith.constant 0 : i32
    %dma_wait3A_302 = arith.constant 0 : i32
    %dma_wait3A_303 = tpu.memref_slice %arg7[%dma_wait3A_301, %dma_wait3A_302] : memref<128x128xf32, #tpu.memory_space<vmem>> -> memref<128x128xf32, #tpu.memory_space<vmem>>
    %dma_wait3A_304 = arith.constant 768 : i32
    %dma_wait3A_305 = tpu.memref_slice %arg5[%dma_wait3A_304] : memref<1200xi32, #tpu.memory_space<vmem>> -> memref<128xi32, #tpu.memory_space<vmem>>
    %dma_wait3A_306 = arith.constant 0 : i32
    %dma_wait3A_307 = arith.constant 0 : i32
    %dma_wait3A_308 = tpu.memref_slice %arg2[%dma_wait3A_306, %dma_wait3A_307] : memref<100000x128xf32, #tpu.memory_space<hbm>> -> memref<100000x128xf32, #tpu.memory_space<hbm>>
    tpu.wait_indirect_dma semaphore(%arg12 : memref<!tpu.dma_semaphore, #tpu.memory_space<semaphore_mem>>) src(%dma_wait3A_308 : memref<100000x128xf32, #tpu.memory_space<hbm>>) dst(%dma_wait3A_303 : memref<128x128xf32, #tpu.memory_space<vmem>>)
    %dma_start3A_309 = arith.constant 0 : i32
    %dma_start3A_310 = arith.constant 0 : i32
    %dma_start3A_311 = tpu.memref_slice %arg7[%dma_start3A_309, %dma_start3A_310] : memref<128x128xf32, #tpu.memory_space<vmem>> -> memref<128x128xf32, #tpu.memory_space<vmem>>
    %dma_start3A_312 = arith.constant 0 : i32
    %dma_start3A_313 = tpu.memref_slice %arg4[%add3A_46, %dma_start3A_312] : memref<38400x128xf32, #tpu.memory_space<hbm>> -> memref<128x128xf32, #tpu.memory_space<hbm>>
    %dma_start3A_314 = arith.constant 0 : i32
    %dma_start3A_315 = tpu.memref_slice %arg4[%add3A_46, %dma_start3A_314] : memref<38400x128xf32, #tpu.memory_space<hbm>> -> memref<128x128xf32, #tpu.memory_space<hbm>>
    %dma_start3A_316 = arith.constant 0 : i32
    %dma_start3A_317 = arith.constant 0 : i32
    %dma_start3A_318 = tpu.memref_slice %arg7[%dma_start3A_316, %dma_start3A_317] : memref<128x128xf32, #tpu.memory_space<vmem>> -> memref<128x128xf32, #tpu.memory_space<vmem>>
    tpu.enqueue_dma source(%dma_start3A_318 : memref<128x128xf32, #tpu.memory_space<vmem>>) target(%dma_start3A_315 : memref<128x128xf32, #tpu.memory_space<hbm>>) target_semaphore(%arg17 : memref<!tpu.dma_semaphore, #tpu.memory_space<semaphore_mem>>)
    %dma_wait3A_319 = arith.constant 0 : i32
    %dma_wait3A_320 = arith.constant 0 : i32
    %dma_wait3A_321 = tpu.memref_slice %arg8[%dma_wait3A_319, %dma_wait3A_320] : memref<128x128xf32, #tpu.memory_space<vmem>> -> memref<128x128xf32, #tpu.memory_space<vmem>>
    %dma_wait3A_322 = arith.constant 896 : i32
    %dma_wait3A_323 = tpu.memref_slice %arg5[%dma_wait3A_322] : memref<1200xi32, #tpu.memory_space<vmem>> -> memref<128xi32, #tpu.memory_space<vmem>>
    %dma_wait3A_324 = arith.constant 0 : i32
    %dma_wait3A_325 = arith.constant 0 : i32
    %dma_wait3A_326 = tpu.memref_slice %arg2[%dma_wait3A_324, %dma_wait3A_325] : memref<100000x128xf32, #tpu.memory_space<hbm>> -> memref<100000x128xf32, #tpu.memory_space<hbm>>
    tpu.wait_indirect_dma semaphore(%arg13 : memref<!tpu.dma_semaphore, #tpu.memory_space<semaphore_mem>>) src(%dma_wait3A_326 : memref<100000x128xf32, #tpu.memory_space<hbm>>) dst(%dma_wait3A_321 : memref<128x128xf32, #tpu.memory_space<vmem>>)
    %dma_start3A_327 = arith.constant 0 : i32
    %dma_start3A_328 = arith.constant 0 : i32
    %dma_start3A_329 = tpu.memref_slice %arg8[%dma_start3A_327, %dma_start3A_328] : memref<128x128xf32, #tpu.memory_space<vmem>> -> memref<128x128xf32, #tpu.memory_space<vmem>>
    %dma_start3A_330 = arith.constant 0 : i32
    %dma_start3A_331 = tpu.memref_slice %arg4[%add3A_52, %dma_start3A_330] : memref<38400x128xf32, #tpu.memory_space<hbm>> -> memref<128x128xf32, #tpu.memory_space<hbm>>
    %dma_start3A_332 = arith.constant 0 : i32
    %dma_start3A_333 = tpu.memref_slice %arg4[%add3A_52, %dma_start3A_332] : memref<38400x128xf32, #tpu.memory_space<hbm>> -> memref<128x128xf32, #tpu.memory_space<hbm>>
    %dma_start3A_334 = arith.constant 0 : i32
    %dma_start3A_335 = arith.constant 0 : i32
    %dma_start3A_336 = tpu.memref_slice %arg8[%dma_start3A_334, %dma_start3A_335] : memref<128x128xf32, #tpu.memory_space<vmem>> -> memref<128x128xf32, #tpu.memory_space<vmem>>
    tpu.enqueue_dma source(%dma_start3A_336 : memref<128x128xf32, #tpu.memory_space<vmem>>) target(%dma_start3A_333 : memref<128x128xf32, #tpu.memory_space<hbm>>) target_semaphore(%arg18 : memref<!tpu.dma_semaphore, #tpu.memory_space<semaphore_mem>>)
    %dma_wait3A_337 = arith.constant 0 : i32
    %dma_wait3A_338 = arith.constant 0 : i32
    %dma_wait3A_339 = tpu.memref_slice %arg9[%dma_wait3A_337, %dma_wait3A_338] : memref<128x128xf32, #tpu.memory_space<vmem>> -> memref<128x128xf32, #tpu.memory_space<vmem>>
    %dma_wait3A_340 = arith.constant 1024 : i32
    %dma_wait3A_341 = tpu.memref_slice %arg5[%dma_wait3A_340] : memref<1200xi32, #tpu.memory_space<vmem>> -> memref<128xi32, #tpu.memory_space<vmem>>
    %dma_wait3A_342 = arith.constant 0 : i32
    %dma_wait3A_343 = arith.constant 0 : i32
    %dma_wait3A_344 = tpu.memref_slice %arg2[%dma_wait3A_342, %dma_wait3A_343] : memref<100000x128xf32, #tpu.memory_space<hbm>> -> memref<100000x128xf32, #tpu.memory_space<hbm>>
    tpu.wait_indirect_dma semaphore(%arg14 : memref<!tpu.dma_semaphore, #tpu.memory_space<semaphore_mem>>) src(%dma_wait3A_344 : memref<100000x128xf32, #tpu.memory_space<hbm>>) dst(%dma_wait3A_339 : memref<128x128xf32, #tpu.memory_space<vmem>>)
    %dma_start3A_345 = arith.constant 0 : i32
    %dma_start3A_346 = arith.constant 0 : i32
    %dma_start3A_347 = tpu.memref_slice %arg9[%dma_start3A_345, %dma_start3A_346] : memref<128x128xf32, #tpu.memory_space<vmem>> -> memref<128x128xf32, #tpu.memory_space<vmem>>
    %dma_start3A_348 = arith.constant 0 : i32
    %dma_start3A_349 = tpu.memref_slice %arg4[%add3A_58, %dma_start3A_348] : memref<38400x128xf32, #tpu.memory_space<hbm>> -> memref<128x128xf32, #tpu.memory_space<hbm>>
    %dma_start3A_350 = arith.constant 0 : i32
    %dma_start3A_351 = tpu.memref_slice %arg4[%add3A_58, %dma_start3A_350] : memref<38400x128xf32, #tpu.memory_space<hbm>> -> memref<128x128xf32, #tpu.memory_space<hbm>>
    %dma_start3A_352 = arith.constant 0 : i32
    %dma_start3A_353 = arith.constant 0 : i32
    %dma_start3A_354 = tpu.memref_slice %arg9[%dma_start3A_352, %dma_start3A_353] : memref<128x128xf32, #tpu.memory_space<vmem>> -> memref<128x128xf32, #tpu.memory_space<vmem>>
    tpu.enqueue_dma source(%dma_start3A_354 : memref<128x128xf32, #tpu.memory_space<vmem>>) target(%dma_start3A_351 : memref<128x128xf32, #tpu.memory_space<hbm>>) target_semaphore(%arg19 : memref<!tpu.dma_semaphore, #tpu.memory_space<semaphore_mem>>)
    %dma_wait3A_355 = arith.constant 0 : i32
    %dma_wait3A_356 = arith.constant 0 : i32
    %dma_wait3A_357 = tpu.memref_slice %arg10[%dma_wait3A_355, %dma_wait3A_356] : memref<128x128xf32, #tpu.memory_space<vmem>> -> memref<48x128xf32, #tpu.memory_space<vmem>>
    %dma_wait3A_358 = arith.constant 1152 : i32
    %dma_wait3A_359 = tpu.memref_slice %arg5[%dma_wait3A_358] : memref<1200xi32, #tpu.memory_space<vmem>> -> memref<48xi32, #tpu.memory_space<vmem>>
    %dma_wait3A_360 = arith.constant 0 : i32
    %dma_wait3A_361 = arith.constant 0 : i32
    %dma_wait3A_362 = tpu.memref_slice %arg2[%dma_wait3A_360, %dma_wait3A_361] : memref<100000x128xf32, #tpu.memory_space<hbm>> -> memref<100000x128xf32, #tpu.memory_space<hbm>>
    tpu.wait_indirect_dma semaphore(%arg15 : memref<!tpu.dma_semaphore, #tpu.memory_space<semaphore_mem>>) src(%dma_wait3A_362 : memref<100000x128xf32, #tpu.memory_space<hbm>>) dst(%dma_wait3A_357 : memref<48x128xf32, #tpu.memory_space<vmem>>)
    %dma_start3A_363 = arith.constant 0 : i32
    %dma_start3A_364 = arith.constant 0 : i32
    %dma_start3A_365 = tpu.memref_slice %arg10[%dma_start3A_363, %dma_start3A_364] : memref<128x128xf32, #tpu.memory_space<vmem>> -> memref<48x128xf32, #tpu.memory_space<vmem>>
    %dma_start3A_366 = arith.constant 0 : i32
    %dma_start3A_367 = tpu.memref_slice %arg4[%add3A_64, %dma_start3A_366] : memref<38400x128xf32, #tpu.memory_space<hbm>> -> memref<48x128xf32, #tpu.memory_space<hbm>>
    %dma_start3A_368 = arith.constant 0 : i32
    %dma_start3A_369 = tpu.memref_slice %arg4[%add3A_64, %dma_start3A_368] : memref<38400x128xf32, #tpu.memory_space<hbm>> -> memref<48x128xf32, #tpu.memory_space<hbm>>
    %dma_start3A_370 = arith.constant 0 : i32
    %dma_start3A_371 = arith.constant 0 : i32
    %dma_start3A_372 = tpu.memref_slice %arg10[%dma_start3A_370, %dma_start3A_371] : memref<128x128xf32, #tpu.memory_space<vmem>> -> memref<48x128xf32, #tpu.memory_space<vmem>>
    tpu.enqueue_dma source(%dma_start3A_372 : memref<48x128xf32, #tpu.memory_space<vmem>>) target(%dma_start3A_369 : memref<48x128xf32, #tpu.memory_space<hbm>>) target_semaphore(%arg20 : memref<!tpu.dma_semaphore, #tpu.memory_space<semaphore_mem>>)
    %dma_wait3A_373 = arith.constant 0 : i32
    %dma_wait3A_374 = arith.constant 0 : i32
    %dma_wait3A_375 = tpu.memref_slice %arg6[%dma_wait3A_373, %dma_wait3A_374] : memref<128x128xf32, #tpu.memory_space<vmem>> -> memref<128x128xf32, #tpu.memory_space<vmem>>
    %dma_wait3A_376 = arith.constant 0 : i32
    %dma_wait3A_377 = tpu.memref_slice %arg4[%add3A_40, %dma_wait3A_376] : memref<38400x128xf32, #tpu.memory_space<hbm>> -> memref<128x128xf32, #tpu.memory_space<hbm>>
    %dma_wait3A_378 = arith.constant 0 : i32
    %dma_wait3A_379 = tpu.memref_slice %arg4[%add3A_40, %dma_wait3A_378] : memref<38400x128xf32, #tpu.memory_space<hbm>> -> memref<128x128xf32, #tpu.memory_space<hbm>>
    %dma_wait3A_380 = arith.constant 0 : i32
    %dma_wait3A_381 = arith.constant 0 : i32
    %dma_wait3A_382 = tpu.memref_slice %arg6[%dma_wait3A_380, %dma_wait3A_381] : memref<128x128xf32, #tpu.memory_space<vmem>> -> memref<128x128xf32, #tpu.memory_space<vmem>>
    tpu.wait_dma2 semaphore(%arg16 : memref<!tpu.dma_semaphore, #tpu.memory_space<semaphore_mem>>) src(%dma_wait3A_382 : memref<128x128xf32, #tpu.memory_space<vmem>>) dst(%dma_wait3A_379 : memref<128x128xf32, #tpu.memory_space<hbm>>)
    %dma_wait3A_383 = arith.constant 0 : i32
    %dma_wait3A_384 = arith.constant 0 : i32
    %dma_wait3A_385 = tpu.memref_slice %arg7[%dma_wait3A_383, %dma_wait3A_384] : memref<128x128xf32, #tpu.memory_space<vmem>> -> memref<128x128xf32, #tpu.memory_space<vmem>>
    %dma_wait3A_386 = arith.constant 0 : i32
    %dma_wait3A_387 = tpu.memref_slice %arg4[%add3A_46, %dma_wait3A_386] : memref<38400x128xf32, #tpu.memory_space<hbm>> -> memref<128x128xf32, #tpu.memory_space<hbm>>
    %dma_wait3A_388 = arith.constant 0 : i32
    %dma_wait3A_389 = tpu.memref_slice %arg4[%add3A_46, %dma_wait3A_388] : memref<38400x128xf32, #tpu.memory_space<hbm>> -> memref<128x128xf32, #tpu.memory_space<hbm>>
    %dma_wait3A_390 = arith.constant 0 : i32
    %dma_wait3A_391 = arith.constant 0 : i32
    %dma_wait3A_392 = tpu.memref_slice %arg7[%dma_wait3A_390, %dma_wait3A_391] : memref<128x128xf32, #tpu.memory_space<vmem>> -> memref<128x128xf32, #tpu.memory_space<vmem>>
    tpu.wait_dma2 semaphore(%arg17 : memref<!tpu.dma_semaphore, #tpu.memory_space<semaphore_mem>>) src(%dma_wait3A_392 : memref<128x128xf32, #tpu.memory_space<vmem>>) dst(%dma_wait3A_389 : memref<128x128xf32, #tpu.memory_space<hbm>>)
    %dma_wait3A_393 = arith.constant 0 : i32
    %dma_wait3A_394 = arith.constant 0 : i32
    %dma_wait3A_395 = tpu.memref_slice %arg8[%dma_wait3A_393, %dma_wait3A_394] : memref<128x128xf32, #tpu.memory_space<vmem>> -> memref<128x128xf32, #tpu.memory_space<vmem>>
    %dma_wait3A_396 = arith.constant 0 : i32
    %dma_wait3A_397 = tpu.memref_slice %arg4[%add3A_52, %dma_wait3A_396] : memref<38400x128xf32, #tpu.memory_space<hbm>> -> memref<128x128xf32, #tpu.memory_space<hbm>>
    %dma_wait3A_398 = arith.constant 0 : i32
    %dma_wait3A_399 = tpu.memref_slice %arg4[%add3A_52, %dma_wait3A_398] : memref<38400x128xf32, #tpu.memory_space<hbm>> -> memref<128x128xf32, #tpu.memory_space<hbm>>
    %dma_wait3A_400 = arith.constant 0 : i32
    %dma_wait3A_401 = arith.constant 0 : i32
    %dma_wait3A_402 = tpu.memref_slice %arg8[%dma_wait3A_400, %dma_wait3A_401] : memref<128x128xf32, #tpu.memory_space<vmem>> -> memref<128x128xf32, #tpu.memory_space<vmem>>
    tpu.wait_dma2 semaphore(%arg18 : memref<!tpu.dma_semaphore, #tpu.memory_space<semaphore_mem>>) src(%dma_wait3A_402 : memref<128x128xf32, #tpu.memory_space<vmem>>) dst(%dma_wait3A_399 : memref<128x128xf32, #tpu.memory_space<hbm>>)
    %dma_wait3A_403 = arith.constant 0 : i32
    %dma_wait3A_404 = arith.constant 0 : i32
    %dma_wait3A_405 = tpu.memref_slice %arg9[%dma_wait3A_403, %dma_wait3A_404] : memref<128x128xf32, #tpu.memory_space<vmem>> -> memref<128x128xf32, #tpu.memory_space<vmem>>
    %dma_wait3A_406 = arith.constant 0 : i32
    %dma_wait3A_407 = tpu.memref_slice %arg4[%add3A_58, %dma_wait3A_406] : memref<38400x128xf32, #tpu.memory_space<hbm>> -> memref<128x128xf32, #tpu.memory_space<hbm>>
    %dma_wait3A_408 = arith.constant 0 : i32
    %dma_wait3A_409 = tpu.memref_slice %arg4[%add3A_58, %dma_wait3A_408] : memref<38400x128xf32, #tpu.memory_space<hbm>> -> memref<128x128xf32, #tpu.memory_space<hbm>>
    %dma_wait3A_410 = arith.constant 0 : i32
    %dma_wait3A_411 = arith.constant 0 : i32
    %dma_wait3A_412 = tpu.memref_slice %arg9[%dma_wait3A_410, %dma_wait3A_411] : memref<128x128xf32, #tpu.memory_space<vmem>> -> memref<128x128xf32, #tpu.memory_space<vmem>>
    tpu.wait_dma2 semaphore(%arg19 : memref<!tpu.dma_semaphore, #tpu.memory_space<semaphore_mem>>) src(%dma_wait3A_412 : memref<128x128xf32, #tpu.memory_space<vmem>>) dst(%dma_wait3A_409 : memref<128x128xf32, #tpu.memory_space<hbm>>)
    %dma_wait3A_413 = arith.constant 0 : i32
    %dma_wait3A_414 = arith.constant 0 : i32
    %dma_wait3A_415 = tpu.memref_slice %arg10[%dma_wait3A_413, %dma_wait3A_414] : memref<128x128xf32, #tpu.memory_space<vmem>> -> memref<48x128xf32, #tpu.memory_space<vmem>>
    %dma_wait3A_416 = arith.constant 0 : i32
    %dma_wait3A_417 = tpu.memref_slice %arg4[%add3A_64, %dma_wait3A_416] : memref<38400x128xf32, #tpu.memory_space<hbm>> -> memref<48x128xf32, #tpu.memory_space<hbm>>
    %dma_wait3A_418 = arith.constant 0 : i32
    %dma_wait3A_419 = tpu.memref_slice %arg4[%add3A_64, %dma_wait3A_418] : memref<38400x128xf32, #tpu.memory_space<hbm>> -> memref<48x128xf32, #tpu.memory_space<hbm>>
    %dma_wait3A_420 = arith.constant 0 : i32
    %dma_wait3A_421 = arith.constant 0 : i32
    %dma_wait3A_422 = tpu.memref_slice %arg10[%dma_wait3A_420, %dma_wait3A_421] : memref<128x128xf32, #tpu.memory_space<vmem>> -> memref<48x128xf32, #tpu.memory_space<vmem>>
    tpu.wait_dma2 semaphore(%arg20 : memref<!tpu.dma_semaphore, #tpu.memory_space<semaphore_mem>>) src(%dma_wait3A_422 : memref<48x128xf32, #tpu.memory_space<vmem>>) dst(%dma_wait3A_419 : memref<48x128xf32, #tpu.memory_space<hbm>>)
    return
  }
}

#map = affine_map<(d0, d1) -> (0, 0)>
#map1 = affine_map<(d0, d1) -> (0)>
module attributes {stable_mosaic.version = 14 : i64} {
  func.func @gather_kernel(%arg0: i32, %arg1: i32, %arg2: memref<100000x128xf32, #tpu.memory_space<hbm>>, %arg3: memref<1024xi32, #tpu.memory_space<hbm>>, %arg4: memref<51200xi32, #tpu.memory_space<hbm>>, %arg5: memref<19200x128xf32, #tpu.memory_space<hbm>>, %arg6: memref<432xi32, #tpu.memory_space<vmem>>, %arg7: memref<128x128xf32, #tpu.memory_space<vmem>>, %arg8: memref<128x128xf32, #tpu.memory_space<vmem>>, %arg9: memref<128x128xf32, #tpu.memory_space<vmem>>, %arg10: memref<128x128xf32, #tpu.memory_space<vmem>>, %arg11: memref<128x128xf32, #tpu.memory_space<vmem>>, %arg12: memref<!tpu.dma_semaphore, #tpu.memory_space<semaphore_mem>>, %arg13: memref<!tpu.dma_semaphore, #tpu.memory_space<semaphore_mem>>, %arg14: memref<!tpu.dma_semaphore, #tpu.memory_space<semaphore_mem>>, %arg15: memref<!tpu.dma_semaphore, #tpu.memory_space<semaphore_mem>>, %arg16: memref<!tpu.dma_semaphore, #tpu.memory_space<semaphore_mem>>, %arg17: memref<!tpu.dma_semaphore, #tpu.memory_space<semaphore_mem>>, %arg18: memref<!tpu.dma_semaphore, #tpu.memory_space<semaphore_mem>>, %arg19: memref<!tpu.dma_semaphore, #tpu.memory_space<semaphore_mem>>, %arg20: memref<!tpu.dma_semaphore, #tpu.memory_space<semaphore_mem>>, %arg21: memref<!tpu.dma_semaphore, #tpu.memory_space<semaphore_mem>>) attributes {dimension_semantics = [#tpu.dimension_semantics<core_parallel>, #tpu.dimension_semantics<subcore_parallel>], iteration_bounds = array<i64: 2, 16>, scalar_prefetch = 0 : i64, scratch_operands = 16 : i64, tpu.core_type = #tpu.core_type<sc_vector_subcore>, window_params = [{transform_indices = #map}, {transform_indices = #map1}, {transform_indices = #map1}, {transform_indices = #map}]} {
    %mul3A = arith.constant 2 : i32
    %mul3A_0 = arith.muli %arg1, %mul3A : i32
    %add3A = arith.addi %mul3A_0, %arg0 : i32
    %mul3A_1 = arith.constant 32 : i32
    %mul3A_2 = arith.muli %add3A, %mul3A_1 : i32
    "tpu.region"() ({
      %run_scoped3A = tpu.sem_alloc : memref<!tpu.dma_semaphore, #tpu.memory_space<semaphore_mem>>
      %dma_start3A_211 = arith.constant 0 : i32
      %dma_start3A_212 = tpu.memref_slice %arg6[%dma_start3A_211] : memref<432xi32, #tpu.memory_space<vmem>> -> memref<32xi32, #tpu.memory_space<vmem>>
      %dma_start3A_213 = tpu.memref_slice %arg3[%mul3A_2] : memref<1024xi32, #tpu.memory_space<hbm>> -> memref<32xi32, #tpu.memory_space<hbm>>
      %dma_start3A_214 = arith.constant 0 : i32
      %dma_start3A_215 = tpu.memref_slice %arg6[%dma_start3A_214] : memref<432xi32, #tpu.memory_space<vmem>> -> memref<32xi32, #tpu.memory_space<vmem>>
      %dma_start3A_216 = tpu.memref_slice %arg3[%mul3A_2] : memref<1024xi32, #tpu.memory_space<hbm>> -> memref<32xi32, #tpu.memory_space<hbm>>
      tpu.enqueue_dma source(%dma_start3A_216 : memref<32xi32, #tpu.memory_space<hbm>>) target(%dma_start3A_215 : memref<32xi32, #tpu.memory_space<vmem>>) target_semaphore(%run_scoped3A : memref<!tpu.dma_semaphore, #tpu.memory_space<semaphore_mem>>)
      %dma_wait3A_217 = arith.constant 0 : i32
      %dma_wait3A_218 = tpu.memref_slice %arg6[%dma_wait3A_217] : memref<432xi32, #tpu.memory_space<vmem>> -> memref<32xi32, #tpu.memory_space<vmem>>
      %dma_wait3A_219 = tpu.memref_slice %arg3[%mul3A_2] : memref<1024xi32, #tpu.memory_space<hbm>> -> memref<32xi32, #tpu.memory_space<hbm>>
      %dma_wait3A_220 = arith.constant 0 : i32
      %dma_wait3A_221 = tpu.memref_slice %arg6[%dma_wait3A_220] : memref<432xi32, #tpu.memory_space<vmem>> -> memref<32xi32, #tpu.memory_space<vmem>>
      %dma_wait3A_222 = tpu.memref_slice %arg3[%mul3A_2] : memref<1024xi32, #tpu.memory_space<hbm>> -> memref<32xi32, #tpu.memory_space<hbm>>
      tpu.wait_dma2 semaphore(%run_scoped3A : memref<!tpu.dma_semaphore, #tpu.memory_space<semaphore_mem>>) src(%dma_wait3A_222 : memref<32xi32, #tpu.memory_space<hbm>>) dst(%dma_wait3A_221 : memref<32xi32, #tpu.memory_space<vmem>>)
      tpu.yield
    }) : () -> ()
    %mul3A_3 = arith.constant 400 : i32
    %mul3A_4 = arith.muli %add3A, %mul3A_3 : i32
    %add3A_5 = arith.constant 0 : i32
    %add3A_6 = arith.addi %add3A_5, %mul3A_4 : i32
    "tpu.region"() ({
      %run_scoped3A = tpu.sem_alloc : memref<!tpu.dma_semaphore, #tpu.memory_space<semaphore_mem>>
      %dma_start3A_211 = arith.constant 32 : i32
      %dma_start3A_212 = tpu.memref_slice %arg6[%dma_start3A_211] : memref<432xi32, #tpu.memory_space<vmem>> -> memref<400xi32, #tpu.memory_space<vmem>>
      %dma_start3A_213 = tpu.memref_slice %arg4[%add3A_6] : memref<51200xi32, #tpu.memory_space<hbm>> -> memref<400xi32, #tpu.memory_space<hbm>>
      %dma_start3A_214 = arith.constant 32 : i32
      %dma_start3A_215 = tpu.memref_slice %arg6[%dma_start3A_214] : memref<432xi32, #tpu.memory_space<vmem>> -> memref<400xi32, #tpu.memory_space<vmem>>
      %dma_start3A_216 = tpu.memref_slice %arg4[%add3A_6] : memref<51200xi32, #tpu.memory_space<hbm>> -> memref<400xi32, #tpu.memory_space<hbm>>
      tpu.enqueue_dma source(%dma_start3A_216 : memref<400xi32, #tpu.memory_space<hbm>>) target(%dma_start3A_215 : memref<400xi32, #tpu.memory_space<vmem>>) target_semaphore(%run_scoped3A : memref<!tpu.dma_semaphore, #tpu.memory_space<semaphore_mem>>)
      %dma_wait3A_217 = arith.constant 32 : i32
      %dma_wait3A_218 = tpu.memref_slice %arg6[%dma_wait3A_217] : memref<432xi32, #tpu.memory_space<vmem>> -> memref<400xi32, #tpu.memory_space<vmem>>
      %dma_wait3A_219 = tpu.memref_slice %arg4[%add3A_6] : memref<51200xi32, #tpu.memory_space<hbm>> -> memref<400xi32, #tpu.memory_space<hbm>>
      %dma_wait3A_220 = arith.constant 32 : i32
      %dma_wait3A_221 = tpu.memref_slice %arg6[%dma_wait3A_220] : memref<432xi32, #tpu.memory_space<vmem>> -> memref<400xi32, #tpu.memory_space<vmem>>
      %dma_wait3A_222 = tpu.memref_slice %arg4[%add3A_6] : memref<51200xi32, #tpu.memory_space<hbm>> -> memref<400xi32, #tpu.memory_space<hbm>>
      tpu.wait_dma2 semaphore(%run_scoped3A : memref<!tpu.dma_semaphore, #tpu.memory_space<semaphore_mem>>) src(%dma_wait3A_222 : memref<400xi32, #tpu.memory_space<hbm>>) dst(%dma_wait3A_221 : memref<400xi32, #tpu.memory_space<vmem>>)
      tpu.yield
    }) : () -> ()
    %mul3A_7 = arith.constant 32 : i32
    %mul3A_8 = arith.muli %add3A, %mul3A_7 : i32
    %mul3A_9 = arith.constant 400 : i32
    %mul3A_10 = arith.muli %add3A, %mul3A_9 : i32
    %add3A_11 = arith.constant 6400 : i32
    %add3A_12 = arith.addi %add3A_11, %mul3A_10 : i32
    %add3A_13 = arith.constant 0 : i32
    %add3A_14 = arith.addi %add3A_12, %add3A_13 : i32
    %mul3A_15 = arith.constant 400 : i32
    %mul3A_16 = arith.muli %add3A, %mul3A_15 : i32
    %add3A_17 = arith.constant 6400 : i32
    %add3A_18 = arith.addi %add3A_17, %mul3A_16 : i32
    %add3A_19 = arith.constant 128 : i32
    %add3A_20 = arith.addi %add3A_18, %add3A_19 : i32
    %mul3A_21 = arith.constant 400 : i32
    %mul3A_22 = arith.muli %add3A, %mul3A_21 : i32
    %add3A_23 = arith.constant 6400 : i32
    %add3A_24 = arith.addi %add3A_23, %mul3A_22 : i32
    %add3A_25 = arith.constant 256 : i32
    %add3A_26 = arith.addi %add3A_24, %add3A_25 : i32
    %mul3A_27 = arith.constant 400 : i32
    %mul3A_28 = arith.muli %add3A, %mul3A_27 : i32
    %add3A_29 = arith.constant 6400 : i32
    %add3A_30 = arith.addi %add3A_29, %mul3A_28 : i32
    %add3A_31 = arith.constant 384 : i32
    %add3A_32 = arith.addi %add3A_30, %add3A_31 : i32
    %dma_start3A = arith.constant 0 : i32
    %dma_start3A_33 = arith.constant 0 : i32
    %dma_start3A_34 = tpu.memref_slice %arg7[%dma_start3A, %dma_start3A_33] : memref<128x128xf32, #tpu.memory_space<vmem>> -> memref<32x128xf32, #tpu.memory_space<vmem>>
    %dma_start3A_35 = arith.constant 0 : i32
    %dma_start3A_36 = tpu.memref_slice %arg6[%dma_start3A_35] : memref<432xi32, #tpu.memory_space<vmem>> -> memref<32xi32, #tpu.memory_space<vmem>>
    %dma_start3A_37 = arith.constant 0 : i32
    %dma_start3A_38 = arith.constant 0 : i32
    %dma_start3A_39 = tpu.memref_slice %arg2[%dma_start3A_37, %dma_start3A_38] : memref<100000x128xf32, #tpu.memory_space<hbm>> -> memref<100000x128xf32, #tpu.memory_space<hbm>>
    tpu.enqueue_indirect_dma source(%dma_start3A_39 : memref<100000x128xf32, #tpu.memory_space<hbm>>) target(%dma_start3A_34 : memref<32x128xf32, #tpu.memory_space<vmem>>) offsets(%dma_start3A_36 : memref<32xi32, #tpu.memory_space<vmem>>) semaphore(%arg12 : memref<!tpu.dma_semaphore, #tpu.memory_space<semaphore_mem>>)
    %dma_start3A_40 = arith.constant 0 : i32
    %dma_start3A_41 = arith.constant 0 : i32
    %dma_start3A_42 = tpu.memref_slice %arg8[%dma_start3A_40, %dma_start3A_41] : memref<128x128xf32, #tpu.memory_space<vmem>> -> memref<128x128xf32, #tpu.memory_space<vmem>>
    %dma_start3A_43 = arith.constant 32 : i32
    %dma_start3A_44 = tpu.memref_slice %arg6[%dma_start3A_43] : memref<432xi32, #tpu.memory_space<vmem>> -> memref<128xi32, #tpu.memory_space<vmem>>
    %dma_start3A_45 = arith.constant 0 : i32
    %dma_start3A_46 = arith.constant 0 : i32
    %dma_start3A_47 = tpu.memref_slice %arg2[%dma_start3A_45, %dma_start3A_46] : memref<100000x128xf32, #tpu.memory_space<hbm>> -> memref<100000x128xf32, #tpu.memory_space<hbm>>
    tpu.enqueue_indirect_dma source(%dma_start3A_47 : memref<100000x128xf32, #tpu.memory_space<hbm>>) target(%dma_start3A_42 : memref<128x128xf32, #tpu.memory_space<vmem>>) offsets(%dma_start3A_44 : memref<128xi32, #tpu.memory_space<vmem>>) semaphore(%arg13 : memref<!tpu.dma_semaphore, #tpu.memory_space<semaphore_mem>>)
    %dma_start3A_48 = arith.constant 0 : i32
    %dma_start3A_49 = arith.constant 0 : i32
    %dma_start3A_50 = tpu.memref_slice %arg9[%dma_start3A_48, %dma_start3A_49] : memref<128x128xf32, #tpu.memory_space<vmem>> -> memref<128x128xf32, #tpu.memory_space<vmem>>
    %dma_start3A_51 = arith.constant 160 : i32
    %dma_start3A_52 = tpu.memref_slice %arg6[%dma_start3A_51] : memref<432xi32, #tpu.memory_space<vmem>> -> memref<128xi32, #tpu.memory_space<vmem>>
    %dma_start3A_53 = arith.constant 0 : i32
    %dma_start3A_54 = arith.constant 0 : i32
    %dma_start3A_55 = tpu.memref_slice %arg2[%dma_start3A_53, %dma_start3A_54] : memref<100000x128xf32, #tpu.memory_space<hbm>> -> memref<100000x128xf32, #tpu.memory_space<hbm>>
    tpu.enqueue_indirect_dma source(%dma_start3A_55 : memref<100000x128xf32, #tpu.memory_space<hbm>>) target(%dma_start3A_50 : memref<128x128xf32, #tpu.memory_space<vmem>>) offsets(%dma_start3A_52 : memref<128xi32, #tpu.memory_space<vmem>>) semaphore(%arg14 : memref<!tpu.dma_semaphore, #tpu.memory_space<semaphore_mem>>)
    %dma_start3A_56 = arith.constant 0 : i32
    %dma_start3A_57 = arith.constant 0 : i32
    %dma_start3A_58 = tpu.memref_slice %arg10[%dma_start3A_56, %dma_start3A_57] : memref<128x128xf32, #tpu.memory_space<vmem>> -> memref<128x128xf32, #tpu.memory_space<vmem>>
    %dma_start3A_59 = arith.constant 288 : i32
    %dma_start3A_60 = tpu.memref_slice %arg6[%dma_start3A_59] : memref<432xi32, #tpu.memory_space<vmem>> -> memref<128xi32, #tpu.memory_space<vmem>>
    %dma_start3A_61 = arith.constant 0 : i32
    %dma_start3A_62 = arith.constant 0 : i32
    %dma_start3A_63 = tpu.memref_slice %arg2[%dma_start3A_61, %dma_start3A_62] : memref<100000x128xf32, #tpu.memory_space<hbm>> -> memref<100000x128xf32, #tpu.memory_space<hbm>>
    tpu.enqueue_indirect_dma source(%dma_start3A_63 : memref<100000x128xf32, #tpu.memory_space<hbm>>) target(%dma_start3A_58 : memref<128x128xf32, #tpu.memory_space<vmem>>) offsets(%dma_start3A_60 : memref<128xi32, #tpu.memory_space<vmem>>) semaphore(%arg15 : memref<!tpu.dma_semaphore, #tpu.memory_space<semaphore_mem>>)
    %dma_wait3A = arith.constant 0 : i32
    %dma_wait3A_64 = arith.constant 0 : i32
    %dma_wait3A_65 = tpu.memref_slice %arg7[%dma_wait3A, %dma_wait3A_64] : memref<128x128xf32, #tpu.memory_space<vmem>> -> memref<32x128xf32, #tpu.memory_space<vmem>>
    %dma_wait3A_66 = arith.constant 0 : i32
    %dma_wait3A_67 = tpu.memref_slice %arg6[%dma_wait3A_66] : memref<432xi32, #tpu.memory_space<vmem>> -> memref<32xi32, #tpu.memory_space<vmem>>
    %dma_wait3A_68 = arith.constant 0 : i32
    %dma_wait3A_69 = arith.constant 0 : i32
    %dma_wait3A_70 = tpu.memref_slice %arg2[%dma_wait3A_68, %dma_wait3A_69] : memref<100000x128xf32, #tpu.memory_space<hbm>> -> memref<100000x128xf32, #tpu.memory_space<hbm>>
    tpu.wait_indirect_dma semaphore(%arg12 : memref<!tpu.dma_semaphore, #tpu.memory_space<semaphore_mem>>) src(%dma_wait3A_70 : memref<100000x128xf32, #tpu.memory_space<hbm>>) dst(%dma_wait3A_65 : memref<32x128xf32, #tpu.memory_space<vmem>>)
    %dma_start3A_71 = arith.constant 0 : i32
    %dma_start3A_72 = arith.constant 0 : i32
    %dma_start3A_73 = tpu.memref_slice %arg7[%dma_start3A_71, %dma_start3A_72] : memref<128x128xf32, #tpu.memory_space<vmem>> -> memref<32x128xf32, #tpu.memory_space<vmem>>
    %dma_start3A_74 = arith.constant 0 : i32
    %dma_start3A_75 = tpu.memref_slice %arg5[%mul3A_8, %dma_start3A_74] : memref<19200x128xf32, #tpu.memory_space<hbm>> -> memref<32x128xf32, #tpu.memory_space<hbm>>
    %dma_start3A_76 = arith.constant 0 : i32
    %dma_start3A_77 = tpu.memref_slice %arg5[%mul3A_8, %dma_start3A_76] : memref<19200x128xf32, #tpu.memory_space<hbm>> -> memref<32x128xf32, #tpu.memory_space<hbm>>
    %dma_start3A_78 = arith.constant 0 : i32
    %dma_start3A_79 = arith.constant 0 : i32
    %dma_start3A_80 = tpu.memref_slice %arg7[%dma_start3A_78, %dma_start3A_79] : memref<128x128xf32, #tpu.memory_space<vmem>> -> memref<32x128xf32, #tpu.memory_space<vmem>>
    tpu.enqueue_dma source(%dma_start3A_80 : memref<32x128xf32, #tpu.memory_space<vmem>>) target(%dma_start3A_77 : memref<32x128xf32, #tpu.memory_space<hbm>>) target_semaphore(%arg17 : memref<!tpu.dma_semaphore, #tpu.memory_space<semaphore_mem>>)
    %dma_start3A_81 = arith.constant 0 : i32
    %dma_start3A_82 = arith.constant 0 : i32
    %dma_start3A_83 = tpu.memref_slice %arg11[%dma_start3A_81, %dma_start3A_82] : memref<128x128xf32, #tpu.memory_space<vmem>> -> memref<16x128xf32, #tpu.memory_space<vmem>>
    %dma_start3A_84 = arith.constant 416 : i32
    %dma_start3A_85 = tpu.memref_slice %arg6[%dma_start3A_84] : memref<432xi32, #tpu.memory_space<vmem>> -> memref<16xi32, #tpu.memory_space<vmem>>
    %dma_start3A_86 = arith.constant 0 : i32
    %dma_start3A_87 = arith.constant 0 : i32
    %dma_start3A_88 = tpu.memref_slice %arg2[%dma_start3A_86, %dma_start3A_87] : memref<100000x128xf32, #tpu.memory_space<hbm>> -> memref<100000x128xf32, #tpu.memory_space<hbm>>
    tpu.enqueue_indirect_dma source(%dma_start3A_88 : memref<100000x128xf32, #tpu.memory_space<hbm>>) target(%dma_start3A_83 : memref<16x128xf32, #tpu.memory_space<vmem>>) offsets(%dma_start3A_85 : memref<16xi32, #tpu.memory_space<vmem>>) semaphore(%arg16 : memref<!tpu.dma_semaphore, #tpu.memory_space<semaphore_mem>>)
    %dma_wait3A_89 = arith.constant 0 : i32
    %dma_wait3A_90 = arith.constant 0 : i32
    %dma_wait3A_91 = tpu.memref_slice %arg8[%dma_wait3A_89, %dma_wait3A_90] : memref<128x128xf32, #tpu.memory_space<vmem>> -> memref<128x128xf32, #tpu.memory_space<vmem>>
    %dma_wait3A_92 = arith.constant 32 : i32
    %dma_wait3A_93 = tpu.memref_slice %arg6[%dma_wait3A_92] : memref<432xi32, #tpu.memory_space<vmem>> -> memref<128xi32, #tpu.memory_space<vmem>>
    %dma_wait3A_94 = arith.constant 0 : i32
    %dma_wait3A_95 = arith.constant 0 : i32
    %dma_wait3A_96 = tpu.memref_slice %arg2[%dma_wait3A_94, %dma_wait3A_95] : memref<100000x128xf32, #tpu.memory_space<hbm>> -> memref<100000x128xf32, #tpu.memory_space<hbm>>
    tpu.wait_indirect_dma semaphore(%arg13 : memref<!tpu.dma_semaphore, #tpu.memory_space<semaphore_mem>>) src(%dma_wait3A_96 : memref<100000x128xf32, #tpu.memory_space<hbm>>) dst(%dma_wait3A_91 : memref<128x128xf32, #tpu.memory_space<vmem>>)
    %dma_start3A_97 = arith.constant 0 : i32
    %dma_start3A_98 = arith.constant 0 : i32
    %dma_start3A_99 = tpu.memref_slice %arg8[%dma_start3A_97, %dma_start3A_98] : memref<128x128xf32, #tpu.memory_space<vmem>> -> memref<128x128xf32, #tpu.memory_space<vmem>>
    %dma_start3A_100 = arith.constant 0 : i32
    %dma_start3A_101 = tpu.memref_slice %arg5[%add3A_14, %dma_start3A_100] : memref<19200x128xf32, #tpu.memory_space<hbm>> -> memref<128x128xf32, #tpu.memory_space<hbm>>
    %dma_start3A_102 = arith.constant 0 : i32
    %dma_start3A_103 = tpu.memref_slice %arg5[%add3A_14, %dma_start3A_102] : memref<19200x128xf32, #tpu.memory_space<hbm>> -> memref<128x128xf32, #tpu.memory_space<hbm>>
    %dma_start3A_104 = arith.constant 0 : i32
    %dma_start3A_105 = arith.constant 0 : i32
    %dma_start3A_106 = tpu.memref_slice %arg8[%dma_start3A_104, %dma_start3A_105] : memref<128x128xf32, #tpu.memory_space<vmem>> -> memref<128x128xf32, #tpu.memory_space<vmem>>
    tpu.enqueue_dma source(%dma_start3A_106 : memref<128x128xf32, #tpu.memory_space<vmem>>) target(%dma_start3A_103 : memref<128x128xf32, #tpu.memory_space<hbm>>) target_semaphore(%arg18 : memref<!tpu.dma_semaphore, #tpu.memory_space<semaphore_mem>>)
    %dma_wait3A_107 = arith.constant 0 : i32
    %dma_wait3A_108 = arith.constant 0 : i32
    %dma_wait3A_109 = tpu.memref_slice %arg9[%dma_wait3A_107, %dma_wait3A_108] : memref<128x128xf32, #tpu.memory_space<vmem>> -> memref<128x128xf32, #tpu.memory_space<vmem>>
    %dma_wait3A_110 = arith.constant 160 : i32
    %dma_wait3A_111 = tpu.memref_slice %arg6[%dma_wait3A_110] : memref<432xi32, #tpu.memory_space<vmem>> -> memref<128xi32, #tpu.memory_space<vmem>>
    %dma_wait3A_112 = arith.constant 0 : i32
    %dma_wait3A_113 = arith.constant 0 : i32
    %dma_wait3A_114 = tpu.memref_slice %arg2[%dma_wait3A_112, %dma_wait3A_113] : memref<100000x128xf32, #tpu.memory_space<hbm>> -> memref<100000x128xf32, #tpu.memory_space<hbm>>
    tpu.wait_indirect_dma semaphore(%arg14 : memref<!tpu.dma_semaphore, #tpu.memory_space<semaphore_mem>>) src(%dma_wait3A_114 : memref<100000x128xf32, #tpu.memory_space<hbm>>) dst(%dma_wait3A_109 : memref<128x128xf32, #tpu.memory_space<vmem>>)
    %dma_start3A_115 = arith.constant 0 : i32
    %dma_start3A_116 = arith.constant 0 : i32
    %dma_start3A_117 = tpu.memref_slice %arg9[%dma_start3A_115, %dma_start3A_116] : memref<128x128xf32, #tpu.memory_space<vmem>> -> memref<128x128xf32, #tpu.memory_space<vmem>>
    %dma_start3A_118 = arith.constant 0 : i32
    %dma_start3A_119 = tpu.memref_slice %arg5[%add3A_20, %dma_start3A_118] : memref<19200x128xf32, #tpu.memory_space<hbm>> -> memref<128x128xf32, #tpu.memory_space<hbm>>
    %dma_start3A_120 = arith.constant 0 : i32
    %dma_start3A_121 = tpu.memref_slice %arg5[%add3A_20, %dma_start3A_120] : memref<19200x128xf32, #tpu.memory_space<hbm>> -> memref<128x128xf32, #tpu.memory_space<hbm>>
    %dma_start3A_122 = arith.constant 0 : i32
    %dma_start3A_123 = arith.constant 0 : i32
    %dma_start3A_124 = tpu.memref_slice %arg9[%dma_start3A_122, %dma_start3A_123] : memref<128x128xf32, #tpu.memory_space<vmem>> -> memref<128x128xf32, #tpu.memory_space<vmem>>
    tpu.enqueue_dma source(%dma_start3A_124 : memref<128x128xf32, #tpu.memory_space<vmem>>) target(%dma_start3A_121 : memref<128x128xf32, #tpu.memory_space<hbm>>) target_semaphore(%arg19 : memref<!tpu.dma_semaphore, #tpu.memory_space<semaphore_mem>>)
    %dma_wait3A_125 = arith.constant 0 : i32
    %dma_wait3A_126 = arith.constant 0 : i32
    %dma_wait3A_127 = tpu.memref_slice %arg10[%dma_wait3A_125, %dma_wait3A_126] : memref<128x128xf32, #tpu.memory_space<vmem>> -> memref<128x128xf32, #tpu.memory_space<vmem>>
    %dma_wait3A_128 = arith.constant 288 : i32
    %dma_wait3A_129 = tpu.memref_slice %arg6[%dma_wait3A_128] : memref<432xi32, #tpu.memory_space<vmem>> -> memref<128xi32, #tpu.memory_space<vmem>>
    %dma_wait3A_130 = arith.constant 0 : i32
    %dma_wait3A_131 = arith.constant 0 : i32
    %dma_wait3A_132 = tpu.memref_slice %arg2[%dma_wait3A_130, %dma_wait3A_131] : memref<100000x128xf32, #tpu.memory_space<hbm>> -> memref<100000x128xf32, #tpu.memory_space<hbm>>
    tpu.wait_indirect_dma semaphore(%arg15 : memref<!tpu.dma_semaphore, #tpu.memory_space<semaphore_mem>>) src(%dma_wait3A_132 : memref<100000x128xf32, #tpu.memory_space<hbm>>) dst(%dma_wait3A_127 : memref<128x128xf32, #tpu.memory_space<vmem>>)
    %dma_start3A_133 = arith.constant 0 : i32
    %dma_start3A_134 = arith.constant 0 : i32
    %dma_start3A_135 = tpu.memref_slice %arg10[%dma_start3A_133, %dma_start3A_134] : memref<128x128xf32, #tpu.memory_space<vmem>> -> memref<128x128xf32, #tpu.memory_space<vmem>>
    %dma_start3A_136 = arith.constant 0 : i32
    %dma_start3A_137 = tpu.memref_slice %arg5[%add3A_26, %dma_start3A_136] : memref<19200x128xf32, #tpu.memory_space<hbm>> -> memref<128x128xf32, #tpu.memory_space<hbm>>
    %dma_start3A_138 = arith.constant 0 : i32
    %dma_start3A_139 = tpu.memref_slice %arg5[%add3A_26, %dma_start3A_138] : memref<19200x128xf32, #tpu.memory_space<hbm>> -> memref<128x128xf32, #tpu.memory_space<hbm>>
    %dma_start3A_140 = arith.constant 0 : i32
    %dma_start3A_141 = arith.constant 0 : i32
    %dma_start3A_142 = tpu.memref_slice %arg10[%dma_start3A_140, %dma_start3A_141] : memref<128x128xf32, #tpu.memory_space<vmem>> -> memref<128x128xf32, #tpu.memory_space<vmem>>
    tpu.enqueue_dma source(%dma_start3A_142 : memref<128x128xf32, #tpu.memory_space<vmem>>) target(%dma_start3A_139 : memref<128x128xf32, #tpu.memory_space<hbm>>) target_semaphore(%arg20 : memref<!tpu.dma_semaphore, #tpu.memory_space<semaphore_mem>>)
    %dma_wait3A_143 = arith.constant 0 : i32
    %dma_wait3A_144 = arith.constant 0 : i32
    %dma_wait3A_145 = tpu.memref_slice %arg11[%dma_wait3A_143, %dma_wait3A_144] : memref<128x128xf32, #tpu.memory_space<vmem>> -> memref<16x128xf32, #tpu.memory_space<vmem>>
    %dma_wait3A_146 = arith.constant 416 : i32
    %dma_wait3A_147 = tpu.memref_slice %arg6[%dma_wait3A_146] : memref<432xi32, #tpu.memory_space<vmem>> -> memref<16xi32, #tpu.memory_space<vmem>>
    %dma_wait3A_148 = arith.constant 0 : i32
    %dma_wait3A_149 = arith.constant 0 : i32
    %dma_wait3A_150 = tpu.memref_slice %arg2[%dma_wait3A_148, %dma_wait3A_149] : memref<100000x128xf32, #tpu.memory_space<hbm>> -> memref<100000x128xf32, #tpu.memory_space<hbm>>
    tpu.wait_indirect_dma semaphore(%arg16 : memref<!tpu.dma_semaphore, #tpu.memory_space<semaphore_mem>>) src(%dma_wait3A_150 : memref<100000x128xf32, #tpu.memory_space<hbm>>) dst(%dma_wait3A_145 : memref<16x128xf32, #tpu.memory_space<vmem>>)
    %dma_start3A_151 = arith.constant 0 : i32
    %dma_start3A_152 = arith.constant 0 : i32
    %dma_start3A_153 = tpu.memref_slice %arg11[%dma_start3A_151, %dma_start3A_152] : memref<128x128xf32, #tpu.memory_space<vmem>> -> memref<16x128xf32, #tpu.memory_space<vmem>>
    %dma_start3A_154 = arith.constant 0 : i32
    %dma_start3A_155 = tpu.memref_slice %arg5[%add3A_32, %dma_start3A_154] : memref<19200x128xf32, #tpu.memory_space<hbm>> -> memref<16x128xf32, #tpu.memory_space<hbm>>
    %dma_start3A_156 = arith.constant 0 : i32
    %dma_start3A_157 = tpu.memref_slice %arg5[%add3A_32, %dma_start3A_156] : memref<19200x128xf32, #tpu.memory_space<hbm>> -> memref<16x128xf32, #tpu.memory_space<hbm>>
    %dma_start3A_158 = arith.constant 0 : i32
    %dma_start3A_159 = arith.constant 0 : i32
    %dma_start3A_160 = tpu.memref_slice %arg11[%dma_start3A_158, %dma_start3A_159] : memref<128x128xf32, #tpu.memory_space<vmem>> -> memref<16x128xf32, #tpu.memory_space<vmem>>
    tpu.enqueue_dma source(%dma_start3A_160 : memref<16x128xf32, #tpu.memory_space<vmem>>) target(%dma_start3A_157 : memref<16x128xf32, #tpu.memory_space<hbm>>) target_semaphore(%arg21 : memref<!tpu.dma_semaphore, #tpu.memory_space<semaphore_mem>>)
    %dma_wait3A_161 = arith.constant 0 : i32
    %dma_wait3A_162 = arith.constant 0 : i32
    %dma_wait3A_163 = tpu.memref_slice %arg7[%dma_wait3A_161, %dma_wait3A_162] : memref<128x128xf32, #tpu.memory_space<vmem>> -> memref<32x128xf32, #tpu.memory_space<vmem>>
    %dma_wait3A_164 = arith.constant 0 : i32
    %dma_wait3A_165 = tpu.memref_slice %arg5[%mul3A_8, %dma_wait3A_164] : memref<19200x128xf32, #tpu.memory_space<hbm>> -> memref<32x128xf32, #tpu.memory_space<hbm>>
    %dma_wait3A_166 = arith.constant 0 : i32
    %dma_wait3A_167 = tpu.memref_slice %arg5[%mul3A_8, %dma_wait3A_166] : memref<19200x128xf32, #tpu.memory_space<hbm>> -> memref<32x128xf32, #tpu.memory_space<hbm>>
    %dma_wait3A_168 = arith.constant 0 : i32
    %dma_wait3A_169 = arith.constant 0 : i32
    %dma_wait3A_170 = tpu.memref_slice %arg7[%dma_wait3A_168, %dma_wait3A_169] : memref<128x128xf32, #tpu.memory_space<vmem>> -> memref<32x128xf32, #tpu.memory_space<vmem>>
    tpu.wait_dma2 semaphore(%arg17 : memref<!tpu.dma_semaphore, #tpu.memory_space<semaphore_mem>>) src(%dma_wait3A_170 : memref<32x128xf32, #tpu.memory_space<vmem>>) dst(%dma_wait3A_167 : memref<32x128xf32, #tpu.memory_space<hbm>>)
    %dma_wait3A_171 = arith.constant 0 : i32
    %dma_wait3A_172 = arith.constant 0 : i32
    %dma_wait3A_173 = tpu.memref_slice %arg8[%dma_wait3A_171, %dma_wait3A_172] : memref<128x128xf32, #tpu.memory_space<vmem>> -> memref<128x128xf32, #tpu.memory_space<vmem>>
    %dma_wait3A_174 = arith.constant 0 : i32
    %dma_wait3A_175 = tpu.memref_slice %arg5[%add3A_14, %dma_wait3A_174] : memref<19200x128xf32, #tpu.memory_space<hbm>> -> memref<128x128xf32, #tpu.memory_space<hbm>>
    %dma_wait3A_176 = arith.constant 0 : i32
    %dma_wait3A_177 = tpu.memref_slice %arg5[%add3A_14, %dma_wait3A_176] : memref<19200x128xf32, #tpu.memory_space<hbm>> -> memref<128x128xf32, #tpu.memory_space<hbm>>
    %dma_wait3A_178 = arith.constant 0 : i32
    %dma_wait3A_179 = arith.constant 0 : i32
    %dma_wait3A_180 = tpu.memref_slice %arg8[%dma_wait3A_178, %dma_wait3A_179] : memref<128x128xf32, #tpu.memory_space<vmem>> -> memref<128x128xf32, #tpu.memory_space<vmem>>
    tpu.wait_dma2 semaphore(%arg18 : memref<!tpu.dma_semaphore, #tpu.memory_space<semaphore_mem>>) src(%dma_wait3A_180 : memref<128x128xf32, #tpu.memory_space<vmem>>) dst(%dma_wait3A_177 : memref<128x128xf32, #tpu.memory_space<hbm>>)
    %dma_wait3A_181 = arith.constant 0 : i32
    %dma_wait3A_182 = arith.constant 0 : i32
    %dma_wait3A_183 = tpu.memref_slice %arg9[%dma_wait3A_181, %dma_wait3A_182] : memref<128x128xf32, #tpu.memory_space<vmem>> -> memref<128x128xf32, #tpu.memory_space<vmem>>
    %dma_wait3A_184 = arith.constant 0 : i32
    %dma_wait3A_185 = tpu.memref_slice %arg5[%add3A_20, %dma_wait3A_184] : memref<19200x128xf32, #tpu.memory_space<hbm>> -> memref<128x128xf32, #tpu.memory_space<hbm>>
    %dma_wait3A_186 = arith.constant 0 : i32
    %dma_wait3A_187 = tpu.memref_slice %arg5[%add3A_20, %dma_wait3A_186] : memref<19200x128xf32, #tpu.memory_space<hbm>> -> memref<128x128xf32, #tpu.memory_space<hbm>>
    %dma_wait3A_188 = arith.constant 0 : i32
    %dma_wait3A_189 = arith.constant 0 : i32
    %dma_wait3A_190 = tpu.memref_slice %arg9[%dma_wait3A_188, %dma_wait3A_189] : memref<128x128xf32, #tpu.memory_space<vmem>> -> memref<128x128xf32, #tpu.memory_space<vmem>>
    tpu.wait_dma2 semaphore(%arg19 : memref<!tpu.dma_semaphore, #tpu.memory_space<semaphore_mem>>) src(%dma_wait3A_190 : memref<128x128xf32, #tpu.memory_space<vmem>>) dst(%dma_wait3A_187 : memref<128x128xf32, #tpu.memory_space<hbm>>)
    %dma_wait3A_191 = arith.constant 0 : i32
    %dma_wait3A_192 = arith.constant 0 : i32
    %dma_wait3A_193 = tpu.memref_slice %arg10[%dma_wait3A_191, %dma_wait3A_192] : memref<128x128xf32, #tpu.memory_space<vmem>> -> memref<128x128xf32, #tpu.memory_space<vmem>>
    %dma_wait3A_194 = arith.constant 0 : i32
    %dma_wait3A_195 = tpu.memref_slice %arg5[%add3A_26, %dma_wait3A_194] : memref<19200x128xf32, #tpu.memory_space<hbm>> -> memref<128x128xf32, #tpu.memory_space<hbm>>
    %dma_wait3A_196 = arith.constant 0 : i32
    %dma_wait3A_197 = tpu.memref_slice %arg5[%add3A_26, %dma_wait3A_196] : memref<19200x128xf32, #tpu.memory_space<hbm>> -> memref<128x128xf32, #tpu.memory_space<hbm>>
    %dma_wait3A_198 = arith.constant 0 : i32
    %dma_wait3A_199 = arith.constant 0 : i32
    %dma_wait3A_200 = tpu.memref_slice %arg10[%dma_wait3A_198, %dma_wait3A_199] : memref<128x128xf32, #tpu.memory_space<vmem>> -> memref<128x128xf32, #tpu.memory_space<vmem>>
    tpu.wait_dma2 semaphore(%arg20 : memref<!tpu.dma_semaphore, #tpu.memory_space<semaphore_mem>>) src(%dma_wait3A_200 : memref<128x128xf32, #tpu.memory_space<vmem>>) dst(%dma_wait3A_197 : memref<128x128xf32, #tpu.memory_space<hbm>>)
    %dma_wait3A_201 = arith.constant 0 : i32
    %dma_wait3A_202 = arith.constant 0 : i32
    %dma_wait3A_203 = tpu.memref_slice %arg11[%dma_wait3A_201, %dma_wait3A_202] : memref<128x128xf32, #tpu.memory_space<vmem>> -> memref<16x128xf32, #tpu.memory_space<vmem>>
    %dma_wait3A_204 = arith.constant 0 : i32
    %dma_wait3A_205 = tpu.memref_slice %arg5[%add3A_32, %dma_wait3A_204] : memref<19200x128xf32, #tpu.memory_space<hbm>> -> memref<16x128xf32, #tpu.memory_space<hbm>>
    %dma_wait3A_206 = arith.constant 0 : i32
    %dma_wait3A_207 = tpu.memref_slice %arg5[%add3A_32, %dma_wait3A_206] : memref<19200x128xf32, #tpu.memory_space<hbm>> -> memref<16x128xf32, #tpu.memory_space<hbm>>
    %dma_wait3A_208 = arith.constant 0 : i32
    %dma_wait3A_209 = arith.constant 0 : i32
    %dma_wait3A_210 = tpu.memref_slice %arg11[%dma_wait3A_208, %dma_wait3A_209] : memref<128x128xf32, #tpu.memory_space<vmem>> -> memref<16x128xf32, #tpu.memory_space<vmem>>
    tpu.wait_dma2 semaphore(%arg21 : memref<!tpu.dma_semaphore, #tpu.memory_space<semaphore_mem>>) src(%dma_wait3A_210 : memref<16x128xf32, #tpu.memory_space<vmem>>) dst(%dma_wait3A_207 : memref<16x128xf32, #tpu.memory_space<hbm>>)
    return
  }
}

module attributes {stable_mosaic.version = 14 : i64} {
  func.func @_dense1_body(%arg0: i32, %arg1: memref<1024x128xf32, #tpu.memory_space<vmem>>, %arg2: memref<6400x128xf32, #tpu.memory_space<vmem>>, %arg3: memref<128x100xf32, #tpu.memory_space<vmem>>, %arg4: memref<128x26xf32, #tpu.memory_space<vmem>>, %arg5: memref<100x8xf32, #tpu.memory_space<vmem>>, %arg6: memref<26x8xf32, #tpu.memory_space<vmem>>, %arg7: memref<128x50xf32, #tpu.memory_space<vmem>>, %arg8: memref<128xf32, #tpu.memory_space<vmem>>, %arg9: memref<128xf32, #tpu.memory_space<vmem>>, %arg10: memref<1x1x128xf32, #tpu.memory_space<vmem>>, %arg11: memref<1x1x128xf32, #tpu.memory_space<vmem>>, %arg12: memref<128x128xf32, #tpu.memory_space<vmem>>, %arg13: memref<128xf32, #tpu.memory_space<vmem>>, %arg14: memref<128x128xf32, #tpu.memory_space<vmem>>, %arg15: memref<128xf32, #tpu.memory_space<vmem>>, %arg16: memref<128x128xf32, #tpu.memory_space<vmem>>, %arg17: memref<128xf32, #tpu.memory_space<vmem>>, %arg18: memref<128x176x128xf32, #tpu.memory_space<vmem>>, %arg19: memref<128x176xf32, #tpu.memory_space<vmem>>, %arg20: memref<126x128xf32, #tpu.memory_space<vmem>>, %arg21: memref<126x128xf32, #tpu.memory_space<vmem>>, %arg22: memref<126x128xf32, #tpu.memory_space<vmem>>, %arg23: memref<126x128xf32, #tpu.memory_space<vmem>>) attributes {dimension_semantics = [#tpu.dimension_semantics<arbitrary>], iteration_bounds = array<i64: 2>, scalar_prefetch = 0 : i64, scratch_operands = 2 : i64, tpu.core_type = #tpu.core_type<tc>, window_params = [{transform_indices = @transform_0, window_bounds = array<i64: 1024, 128>}, {transform_indices = @transform_1, window_bounds = array<i64: 6400, 128>}, {transform_indices = @transform_2, window_bounds = array<i64: 128, 100>}, {transform_indices = @transform_3, window_bounds = array<i64: 128, 26>}, {pipeline_mode = #tpu.pipeline_mode<synchronous>, transform_indices = @transform_4, window_bounds = array<i64: 100, 8>}, {pipeline_mode = #tpu.pipeline_mode<synchronous>, transform_indices = @transform_5, window_bounds = array<i64: 26, 8>}, {transform_indices = @transform_6, window_bounds = array<i64: 128, 50>}, {pipeline_mode = #tpu.pipeline_mode<synchronous>, transform_indices = @transform_7, window_bounds = array<i64: 128>}, {pipeline_mode = #tpu.pipeline_mode<synchronous>, transform_indices = @transform_8, window_bounds = array<i64: 128>}, {pipeline_mode = #tpu.pipeline_mode<synchronous>, transform_indices = @transform_9, window_bounds = array<i64: 1, 1, 128>}, {pipeline_mode = #tpu.pipeline_mode<synchronous>, transform_indices = @transform_10, window_bounds = array<i64: 1, 1, 128>}, {pipeline_mode = #tpu.pipeline_mode<synchronous>, transform_indices = @transform_11, window_bounds = array<i64: 128, 128>}, {pipeline_mode = #tpu.pipeline_mode<synchronous>, transform_indices = @transform_12, window_bounds = array<i64: 128>}, {pipeline_mode = #tpu.pipeline_mode<synchronous>, transform_indices = @transform_13, window_bounds = array<i64: 128, 128>}, {pipeline_mode = #tpu.pipeline_mode<synchronous>, transform_indices = @transform_14, window_bounds = array<i64: 128>}, {pipeline_mode = #tpu.pipeline_mode<synchronous>, transform_indices = @transform_15, window_bounds = array<i64: 128, 128>}, {pipeline_mode = #tpu.pipeline_mode<synchronous>, transform_indices = @transform_16, window_bounds = array<i64: 128>}, {transform_indices = @transform_17, window_bounds = array<i64: 128, 176, 128>}, {transform_indices = @transform_18, window_bounds = array<i64: 128, 176>}, {pipeline_mode = #tpu.pipeline_mode<synchronous>, transform_indices = @transform_19, window_bounds = array<i64: 126, 128>}, {pipeline_mode = #tpu.pipeline_mode<synchronous>, transform_indices = @transform_20, window_bounds = array<i64: 126, 128>}]} {
    %get3A = arith.constant 0 : index
    %get3A_0 = vector.load %arg8[%get3A] : memref<128xf32, #tpu.memory_space<vmem>>, vector<128xf32>
    %broadcast_in_dim3A = vector.shape_cast %get3A_0 : vector<128xf32> to vector<1x128xf32>
    %get3A_1 = arith.constant 0 : index
    %get3A_2 = vector.load %arg9[%get3A_1] : memref<128xf32, #tpu.memory_space<vmem>>, vector<128xf32>
    %broadcast_in_dim3A_3 = vector.shape_cast %get3A_2 : vector<128xf32> to vector<1x128xf32>
    %eq3A = arith.constant 0 : i32
    %eq3A_4 = arith.cmpi eq, %arg0, %eq3A : i32
    %convert_element_type3A = arith.extui %eq3A_4 : i1 to i32
    %cond3A = arith.constant 0 : i32
    %cond3A_5 = arith.cmpi ne, %convert_element_type3A, %cond3A : i32
    scf.if %cond3A_5 {
      %get3A_71 = arith.constant 0 : index
      %get3A_72 = arith.constant 0 : index
      %get3A_73 = vector.load %arg1[%get3A_71, %get3A_72] : memref<1024x128xf32, #tpu.memory_space<vmem>>, vector<1024x128xf32>
      %get3A_74 = arith.constant 0 : index
      %get3A_75 = arith.constant 0 : index
      %get3A_76 = vector.load %arg5[%get3A_74, %get3A_75] : memref<100x8xf32, #tpu.memory_space<vmem>>, vector<100x8xf32>
      %get3A_77 = arith.constant 0 : index
      %get3A_78 = arith.constant 0 : index
      %get3A_79 = vector.load %arg6[%get3A_77, %get3A_78] : memref<26x8xf32, #tpu.memory_space<vmem>>, vector<26x8xf32>
      %get3A_80 = arith.constant 0 : index
      %get3A_81 = arith.constant 0 : index
      %get3A_82 = arith.constant 0 : index
      %get3A_83 = vector.load %arg10[%get3A_80, %get3A_81, %get3A_82] : memref<1x1x128xf32, #tpu.memory_space<vmem>>, vector<1x1x128xf32>
      %reshape3A_84 = vector.shape_cast %get3A_83 : vector<1x1x128xf32> to vector<1x128xf32>
      %get3A_85 = arith.constant 0 : index
      %get3A_86 = arith.constant 0 : index
      %get3A_87 = arith.constant 0 : index
      %get3A_88 = vector.load %arg11[%get3A_85, %get3A_86, %get3A_87] : memref<1x1x128xf32, #tpu.memory_space<vmem>>, vector<1x1x128xf32>
      %reshape3A_89 = vector.shape_cast %get3A_88 : vector<1x1x128xf32> to vector<1x128xf32>
      %get3A_90 = arith.constant 0 : index
      %get3A_91 = arith.constant 0 : index
      %get3A_92 = vector.load %arg12[%get3A_90, %get3A_91] : memref<128x128xf32, #tpu.memory_space<vmem>>, vector<128x128xf32>
      %get3A_93 = arith.constant 0 : index
      %get3A_94 = vector.load %arg13[%get3A_93] : memref<128xf32, #tpu.memory_space<vmem>>, vector<128xf32>
      %broadcast_in_dim3A_95 = vector.shape_cast %get3A_94 : vector<128xf32> to vector<1x128xf32>
      %get3A_96 = arith.constant 0 : index
      %get3A_97 = arith.constant 0 : index
      %get3A_98 = vector.load %arg16[%get3A_96, %get3A_97] : memref<128x128xf32, #tpu.memory_space<vmem>>, vector<128x128xf32>
      %get3A_99 = arith.constant 0 : index
      %get3A_100 = vector.load %arg17[%get3A_99] : memref<128xf32, #tpu.memory_space<vmem>>, vector<128xf32>
      %broadcast_in_dim3A_101 = vector.shape_cast %get3A_100 : vector<128xf32> to vector<1x128xf32>
      %reduce_sum3A_102 = arith.constant dense<0.000000e+00> : vector<1024xf32>
      %reduce_sum3A_103 = vector.multi_reduction <add>, %get3A_73, %reduce_sum3A_102 [1] : vector<1024x128xf32> to vector<1024xf32>
      %broadcast_in_dim3A_104 = vector.shape_cast %reduce_sum3A_103 : vector<1024xf32> to vector<1024x1xf32>
      %div3A_105 = arith.constant 1.280000e+02 : f32
      %div3A_106 = vector.broadcast %div3A_105 : f32 to vector<1024x1xf32>
      %div3A_107 = arith.divf %broadcast_in_dim3A_104, %div3A_106 : vector<1024x1xf32>
      %sub3A_108 = vector.broadcast %div3A_107 : vector<1024x1xf32> to vector<1024x128xf32>
      %sub3A_109 = arith.subf %get3A_73, %sub3A_108 : vector<1024x128xf32>
      %integer_pow3A_110 = arith.mulf %sub3A_109, %sub3A_109 : vector<1024x128xf32>
      %reduce_sum3A_111 = arith.constant dense<0.000000e+00> : vector<1024xf32>
      %reduce_sum3A_112 = vector.multi_reduction <add>, %integer_pow3A_110, %reduce_sum3A_111 [1] : vector<1024x128xf32> to vector<1024xf32>
      %broadcast_in_dim3A_113 = vector.shape_cast %reduce_sum3A_112 : vector<1024xf32> to vector<1024x1xf32>
      %div3A_114 = arith.constant 1.280000e+02 : f32
      %div3A_115 = vector.broadcast %div3A_114 : f32 to vector<1024x1xf32>
      %div3A_116 = arith.divf %broadcast_in_dim3A_113, %div3A_115 : vector<1024x1xf32>
      %sub3A_117 = vector.broadcast %div3A_107 : vector<1024x1xf32> to vector<1024x128xf32>
      %sub3A_118 = arith.subf %get3A_73, %sub3A_117 : vector<1024x128xf32>
      %add3A_119 = arith.constant 9.99999974E-6 : f32
      %add3A_120 = vector.broadcast %add3A_119 : f32 to vector<1024x1xf32>
      %add3A_121 = arith.addf %div3A_116, %add3A_120 : vector<1024x1xf32>
      %rsqrt3A_122 = math.rsqrt %add3A_121 : vector<1024x1xf32>
      %mul3A_123 = vector.broadcast %rsqrt3A_122 : vector<1024x1xf32> to vector<1024x128xf32>
      %mul3A_124 = arith.mulf %sub3A_118, %mul3A_123 : vector<1024x128xf32>
      %mul3A_125 = vector.broadcast %broadcast_in_dim3A : vector<1x128xf32> to vector<1024x128xf32>
      %mul3A_126 = arith.mulf %mul3A_124, %mul3A_125 : vector<1024x128xf32>
      %add3A_127 = vector.broadcast %broadcast_in_dim3A_3 : vector<1x128xf32> to vector<1024x128xf32>
      %add3A_128 = arith.addf %mul3A_126, %add3A_127 : vector<1024x128xf32>
      %slice3A = vector.extract_strided_slice %add3A_128 {offsets = [0, 0], sizes = [800, 128], strides = [1, 1]} : vector<1024x128xf32> to vector<800x128xf32>
      %reshape3A_129 = vector.shape_cast %slice3A : vector<800x128xf32> to vector<100x8x128xf32>
      %broadcast_in_dim3A_130 = vector.shape_cast %get3A_76 : vector<100x8xf32> to vector<100x8x1xf32>
      %mul3A_131 = vector.broadcast %broadcast_in_dim3A_130 : vector<100x8x1xf32> to vector<100x8x128xf32>
      %mul3A_132 = arith.mulf %reshape3A_129, %mul3A_131 : vector<100x8x128xf32>
      %reduce_sum3A_133 = arith.constant dense<0.000000e+00> : vector<100x128xf32>
      %reduce_sum3A_134 = vector.multi_reduction <add>, %mul3A_132, %reduce_sum3A_133 [1] : vector<100x8x128xf32> to vector<100x128xf32>
      %reduce_sum3A_135 = arith.constant dense<0.000000e+00> : vector<100xf32>
      %reduce_sum3A_136 = vector.multi_reduction <add>, %get3A_76, %reduce_sum3A_135 [1] : vector<100x8xf32> to vector<100xf32>
      %broadcast_in_dim3A_137 = vector.shape_cast %reduce_sum3A_136 : vector<100xf32> to vector<100x1xf32>
      %div3A_138 = vector.broadcast %broadcast_in_dim3A_137 : vector<100x1xf32> to vector<100x128xf32>
      %div3A_139 = arith.divf %reduce_sum3A_134, %div3A_138 : vector<100x128xf32>
      %slice3A_140 = vector.extract_strided_slice %add3A_128 {offsets = [800, 0], sizes = [208, 128], strides = [1, 1]} : vector<1024x128xf32> to vector<208x128xf32>
      %reshape3A_141 = vector.shape_cast %slice3A_140 : vector<208x128xf32> to vector<26x8x128xf32>
      %broadcast_in_dim3A_142 = vector.shape_cast %get3A_79 : vector<26x8xf32> to vector<26x8x1xf32>
      %mul3A_143 = vector.broadcast %broadcast_in_dim3A_142 : vector<26x8x1xf32> to vector<26x8x128xf32>
      %mul3A_144 = arith.mulf %reshape3A_141, %mul3A_143 : vector<26x8x128xf32>
      %reduce_sum3A_145 = arith.constant dense<0.000000e+00> : vector<26x128xf32>
      %reduce_sum3A_146 = vector.multi_reduction <add>, %mul3A_144, %reduce_sum3A_145 [1] : vector<26x8x128xf32> to vector<26x128xf32>
      %reduce_sum3A_147 = arith.constant dense<0.000000e+00> : vector<26xf32>
      %reduce_sum3A_148 = vector.multi_reduction <add>, %get3A_79, %reduce_sum3A_147 [1] : vector<26x8xf32> to vector<26xf32>
      %broadcast_in_dim3A_149 = vector.shape_cast %reduce_sum3A_148 : vector<26xf32> to vector<26x1xf32>
      %div3A_150 = vector.broadcast %broadcast_in_dim3A_149 : vector<26x1xf32> to vector<26x128xf32>
      %div3A_151 = arith.divf %reduce_sum3A_146, %div3A_150 : vector<26x128xf32>
      %dot_general3A_152 = arith.constant dense<0.000000e+00> : vector<100x128xf32>
      %dot_general3A_153 = tpu.matmul %div3A_139, %get3A_92, %dot_general3A_152 {dimension_numbers = #tpu.dot_dimension_numbers<[1], [0], [0], [1], [0, 0, 1, 1], [], []>, transpose_lhs_hint = false} : vector<100x128xf32>, vector<128x128xf32>, vector<100x128xf32> -> vector<100x128xf32>
      %dot_general3A_154 = arith.constant dense<0.000000e+00> : vector<1x128xf32>
      %dot_general3A_155 = tpu.matmul %reshape3A_84, %get3A_92, %dot_general3A_154 {dimension_numbers = #tpu.dot_dimension_numbers<[1], [0], [0], [1], [0, 0, 1, 1], [], []>, transpose_lhs_hint = false} : vector<1x128xf32>, vector<128x128xf32>, vector<1x128xf32> -> vector<1x128xf32>
      %add3A_156 = arith.addf %dot_general3A_155, %broadcast_in_dim3A_95 : vector<1x128xf32>
      %dot_general3A_157 = arith.constant dense<0.000000e+00> : vector<26x128xf32>
      %dot_general3A_158 = tpu.matmul %div3A_151, %get3A_98, %dot_general3A_157 {dimension_numbers = #tpu.dot_dimension_numbers<[1], [0], [0], [1], [0, 0, 1, 1], [], []>, transpose_lhs_hint = false} : vector<26x128xf32>, vector<128x128xf32>, vector<26x128xf32> -> vector<26x128xf32>
      %dot_general3A_159 = arith.constant dense<0.000000e+00> : vector<1x128xf32>
      %dot_general3A_160 = tpu.matmul %reshape3A_89, %get3A_98, %dot_general3A_159 {dimension_numbers = #tpu.dot_dimension_numbers<[1], [0], [0], [1], [0, 0, 1, 1], [], []>, transpose_lhs_hint = false} : vector<1x128xf32>, vector<128x128xf32>, vector<1x128xf32> -> vector<1x128xf32>
      %add3A_161 = arith.addf %dot_general3A_160, %broadcast_in_dim3A_101 : vector<1x128xf32>
      %concatenate3A_162 = tpu.concatenate %dot_general3A_153, %dot_general3A_158 in 0 : vector<100x128xf32>, vector<26x128xf32> -> vector<126x128xf32>
      %broadcast_in_dim3A_163 = vector.shape_cast %add3A_156 : vector<1x128xf32> to vector<1x128xf32>
      %broadcast_in_dim3A_164 = vector.broadcast %broadcast_in_dim3A_163 : vector<1x128xf32> to vector<100x128xf32>
      %broadcast_in_dim3A_165 = vector.shape_cast %add3A_161 : vector<1x128xf32> to vector<1x128xf32>
      %broadcast_in_dim3A_166 = vector.broadcast %broadcast_in_dim3A_165 : vector<1x128xf32> to vector<26x128xf32>
      %concatenate3A_167 = tpu.concatenate %broadcast_in_dim3A_164, %broadcast_in_dim3A_166 in 0 : vector<100x128xf32>, vector<26x128xf32> -> vector<126x128xf32>
      %swap3A_168 = arith.constant 0 : index
      %swap3A_169 = arith.constant 0 : index
      %swap3A_170 = vector.load %arg22[%swap3A_168, %swap3A_169] : memref<126x128xf32, #tpu.memory_space<vmem>>, vector<126x128xf32>
      tpu.vector_store %arg22[%swap3A_168, %swap3A_169], %concatenate3A_162 {strides = array<i32>} : memref<126x128xf32, #tpu.memory_space<vmem>>, vector<126x128xf32>,
      %swap3A_171 = arith.constant 0 : index
      %swap3A_172 = arith.constant 0 : index
      %swap3A_173 = vector.load %arg23[%swap3A_171, %swap3A_172] : memref<126x128xf32, #tpu.memory_space<vmem>>, vector<126x128xf32>
      tpu.vector_store %arg23[%swap3A_171, %swap3A_172], %concatenate3A_167 {strides = array<i32>} : memref<126x128xf32, #tpu.memory_space<vmem>>, vector<126x128xf32>,
      %swap3A_174 = arith.constant 0 : index
      %swap3A_175 = arith.constant 0 : index
      %swap3A_176 = vector.load %arg20[%swap3A_174, %swap3A_175] : memref<126x128xf32, #tpu.memory_space<vmem>>, vector<126x128xf32>
      tpu.vector_store %arg20[%swap3A_174, %swap3A_175], %concatenate3A_162 {strides = array<i32>} : memref<126x128xf32, #tpu.memory_space<vmem>>, vector<126x128xf32>,
      %swap3A_177 = arith.constant 0 : index
      %swap3A_178 = arith.constant 0 : index
      %swap3A_179 = vector.load %arg21[%swap3A_177, %swap3A_178] : memref<126x128xf32, #tpu.memory_space<vmem>>, vector<126x128xf32>
      tpu.vector_store %arg21[%swap3A_177, %swap3A_178], %concatenate3A_167 {strides = array<i32>} : memref<126x128xf32, #tpu.memory_space<vmem>>, vector<126x128xf32>,
    } else {
    }
    %get3A_6 = arith.constant 0 : index
    %get3A_7 = arith.constant 0 : index
    %get3A_8 = vector.load %arg22[%get3A_6, %get3A_7] : memref<126x128xf32, #tpu.memory_space<vmem>>, vector<126x128xf32>
    %get3A_9 = arith.constant 0 : index
    %get3A_10 = arith.constant 0 : index
    %get3A_11 = vector.load %arg23[%get3A_9, %get3A_10] : memref<126x128xf32, #tpu.memory_space<vmem>>, vector<126x128xf32>
    %get3A_12 = arith.constant 0 : index
    %get3A_13 = arith.constant 0 : index
    %get3A_14 = vector.load %arg3[%get3A_12, %get3A_13] : memref<128x100xf32, #tpu.memory_space<vmem>>, vector<128x100xf32>
    %get3A_15 = arith.constant 0 : index
    %get3A_16 = arith.constant 0 : index
    %get3A_17 = vector.load %arg4[%get3A_15, %get3A_16] : memref<128x26xf32, #tpu.memory_space<vmem>>, vector<128x26xf32>
    %concatenate3A = tpu.concatenate %get3A_14, %get3A_17 in 1 : vector<128x100xf32>, vector<128x26xf32> -> vector<128x126xf32>
    %broadcast_in_dim3A_18 = vector.shape_cast %concatenate3A : vector<128x126xf32> to vector<128x126x1xf32>
    %broadcast_in_dim3A_19 = vector.shape_cast %get3A_8 : vector<126x128xf32> to vector<1x126x128xf32>
    %mul3A = vector.broadcast %broadcast_in_dim3A_18 : vector<128x126x1xf32> to vector<128x126x128xf32>
    %mul3A_20 = vector.broadcast %broadcast_in_dim3A_19 : vector<1x126x128xf32> to vector<128x126x128xf32>
    %mul3A_21 = arith.mulf %mul3A, %mul3A_20 : vector<128x126x128xf32>
    %broadcast_in_dim3A_22 = vector.shape_cast %get3A_11 : vector<126x128xf32> to vector<1x126x128xf32>
    %add3A = vector.broadcast %broadcast_in_dim3A_22 : vector<1x126x128xf32> to vector<128x126x128xf32>
    %add3A_23 = arith.addf %mul3A_21, %add3A : vector<128x126x128xf32>
    %get3A_24 = arith.constant 0 : index
    %get3A_25 = arith.constant 0 : index
    %get3A_26 = vector.load %arg2[%get3A_24, %get3A_25] : memref<6400x128xf32, #tpu.memory_space<vmem>>, vector<6400x128xf32>
    %reduce_sum3A = arith.constant dense<0.000000e+00> : vector<6400xf32>
    %reduce_sum3A_27 = vector.multi_reduction <add>, %get3A_26, %reduce_sum3A [1] : vector<6400x128xf32> to vector<6400xf32>
    %broadcast_in_dim3A_28 = vector.shape_cast %reduce_sum3A_27 : vector<6400xf32> to vector<6400x1xf32>
    %div3A = arith.constant 1.280000e+02 : f32
    %div3A_29 = vector.broadcast %div3A : f32 to vector<6400x1xf32>
    %div3A_30 = arith.divf %broadcast_in_dim3A_28, %div3A_29 : vector<6400x1xf32>
    %sub3A = vector.broadcast %div3A_30 : vector<6400x1xf32> to vector<6400x128xf32>
    %sub3A_31 = arith.subf %get3A_26, %sub3A : vector<6400x128xf32>
    %integer_pow3A = arith.mulf %sub3A_31, %sub3A_31 : vector<6400x128xf32>
    %reduce_sum3A_32 = arith.constant dense<0.000000e+00> : vector<6400xf32>
    %reduce_sum3A_33 = vector.multi_reduction <add>, %integer_pow3A, %reduce_sum3A_32 [1] : vector<6400x128xf32> to vector<6400xf32>
    %broadcast_in_dim3A_34 = vector.shape_cast %reduce_sum3A_33 : vector<6400xf32> to vector<6400x1xf32>
    %div3A_35 = arith.constant 1.280000e+02 : f32
    %div3A_36 = vector.broadcast %div3A_35 : f32 to vector<6400x1xf32>
    %div3A_37 = arith.divf %broadcast_in_dim3A_34, %div3A_36 : vector<6400x1xf32>
    %sub3A_38 = vector.broadcast %div3A_30 : vector<6400x1xf32> to vector<6400x128xf32>
    %sub3A_39 = arith.subf %get3A_26, %sub3A_38 : vector<6400x128xf32>
    %add3A_40 = arith.constant 9.99999974E-6 : f32
    %add3A_41 = vector.broadcast %add3A_40 : f32 to vector<6400x1xf32>
    %add3A_42 = arith.addf %div3A_37, %add3A_41 : vector<6400x1xf32>
    %rsqrt3A = math.rsqrt %add3A_42 : vector<6400x1xf32>
    %mul3A_43 = vector.broadcast %rsqrt3A : vector<6400x1xf32> to vector<6400x128xf32>
    %mul3A_44 = arith.mulf %sub3A_39, %mul3A_43 : vector<6400x128xf32>
    %mul3A_45 = vector.broadcast %broadcast_in_dim3A : vector<1x128xf32> to vector<6400x128xf32>
    %mul3A_46 = arith.mulf %mul3A_44, %mul3A_45 : vector<6400x128xf32>
    %add3A_47 = vector.broadcast %broadcast_in_dim3A_3 : vector<1x128xf32> to vector<6400x128xf32>
    %add3A_48 = arith.addf %mul3A_46, %add3A_47 : vector<6400x128xf32>
    %get3A_49 = arith.constant 0 : index
    %get3A_50 = arith.constant 0 : index
    %get3A_51 = vector.load %arg14[%get3A_49, %get3A_50] : memref<128x128xf32, #tpu.memory_space<vmem>>, vector<128x128xf32>
    %dot_general3A = arith.constant dense<0.000000e+00> : vector<6400x128xf32>
    %dot_general3A_52 = tpu.matmul %add3A_48, %get3A_51, %dot_general3A {dimension_numbers = #tpu.dot_dimension_numbers<[1], [0], [0], [1], [0, 0, 1, 1], [], []>, transpose_lhs_hint = false} : vector<6400x128xf32>, vector<128x128xf32>, vector<6400x128xf32> -> vector<6400x128xf32>
    %get3A_53 = arith.constant 0 : index
    %get3A_54 = vector.load %arg15[%get3A_53] : memref<128xf32, #tpu.memory_space<vmem>>, vector<128xf32>
    %broadcast_in_dim3A_55 = vector.shape_cast %get3A_54 : vector<128xf32> to vector<1x128xf32>
    %add3A_56 = vector.broadcast %broadcast_in_dim3A_55 : vector<1x128xf32> to vector<6400x128xf32>
    %add3A_57 = arith.addf %dot_general3A_52, %add3A_56 : vector<6400x128xf32>
    %reshape3A = vector.shape_cast %add3A_57 : vector<6400x128xf32> to vector<128x50x128xf32>
    %concatenate3A_58 = tpu.concatenate %add3A_23, %reshape3A in 1 : vector<128x126x128xf32>, vector<128x50x128xf32> -> vector<128x176x128xf32>
    %swap3A = arith.constant 0 : index
    %swap3A_59 = arith.constant 0 : index
    %swap3A_60 = arith.constant 0 : index
    %swap3A_61 = vector.load %arg18[%swap3A, %swap3A_59, %swap3A_60] : memref<128x176x128xf32, #tpu.memory_space<vmem>>, vector<128x176x128xf32>
    tpu.vector_store %arg18[%swap3A, %swap3A_59, %swap3A_60], %concatenate3A_58 {strides = array<i32>} : memref<128x176x128xf32, #tpu.memory_space<vmem>>, vector<128x176x128xf32>,
    %broadcast_in_dim3A_62 = arith.constant 1.000000e+00 : f32
    %broadcast_in_dim3A_63 = vector.broadcast %broadcast_in_dim3A_62 : f32 to vector<128x126xf32>
    %get3A_64 = arith.constant 0 : index
    %get3A_65 = arith.constant 0 : index
    %get3A_66 = vector.load %arg7[%get3A_64, %get3A_65] : memref<128x50xf32, #tpu.memory_space<vmem>>, vector<128x50xf32>
    %concatenate3A_67 = tpu.concatenate %broadcast_in_dim3A_63, %get3A_66 in 1 : vector<128x126xf32>, vector<128x50xf32> -> vector<128x176xf32>
    %swap3A_68 = arith.constant 0 : index
    %swap3A_69 = arith.constant 0 : index
    %swap3A_70 = vector.load %arg19[%swap3A_68, %swap3A_69] : memref<128x176xf32, #tpu.memory_space<vmem>>, vector<128x176xf32>
    tpu.vector_store %arg19[%swap3A_68, %swap3A_69], %concatenate3A_67 {strides = array<i32>} : memref<128x176xf32, #tpu.memory_space<vmem>>, vector<128x176xf32>,
    return
  }
  func.func @transform_0(%arg0: i32) -> (i32, i32) {
    %c0_i32 = arith.constant 0 : i32
    %c0_i32_0 = arith.constant 0 : i32
    %c0_i32_1 = arith.constant 0 : i32
    return %c0_i32, %c0_i32_0 : i32, i32
  }
  func.func @transform_1(%arg0: i32) -> (i32, i32) {
    %add3A = arith.constant 1 : i32
    %add3A_0 = arith.addi %arg0, %add3A : i32
    %c0_i32 = arith.constant 0 : i32
    %c0_i32_1 = arith.constant 0 : i32
    return %add3A_0, %c0_i32 : i32, i32
  }
  func.func @transform_2(%arg0: i32) -> (i32, i32) {
    %c0_i32 = arith.constant 0 : i32
    %c0_i32_0 = arith.constant 0 : i32
    return %arg0, %c0_i32 : i32, i32
  }
  func.func @transform_3(%arg0: i32) -> (i32, i32) {
    %c0_i32 = arith.constant 0 : i32
    %c0_i32_0 = arith.constant 0 : i32
    return %arg0, %c0_i32 : i32, i32
  }
  func.func @transform_4(%arg0: i32) -> (i32, i32) {
    %c0_i32 = arith.constant 0 : i32
    %c0_i32_0 = arith.constant 0 : i32
    %c0_i32_1 = arith.constant 0 : i32
    return %c0_i32, %c0_i32_0 : i32, i32
  }
  func.func @transform_5(%arg0: i32) -> (i32, i32) {
    %c0_i32 = arith.constant 0 : i32
    %c0_i32_0 = arith.constant 0 : i32
    %c0_i32_1 = arith.constant 0 : i32
    return %c0_i32, %c0_i32_0 : i32, i32
  }
  func.func @transform_6(%arg0: i32) -> (i32, i32) {
    %c0_i32 = arith.constant 0 : i32
    %c0_i32_0 = arith.constant 0 : i32
    return %arg0, %c0_i32 : i32, i32
  }
  func.func @transform_7(%arg0: i32) -> i32 {
    %c0_i32 = arith.constant 0 : i32
    %c0_i32_0 = arith.constant 0 : i32
    return %c0_i32 : i32
  }
  func.func @transform_8(%arg0: i32) -> i32 {
    %c0_i32 = arith.constant 0 : i32
    %c0_i32_0 = arith.constant 0 : i32
    return %c0_i32 : i32
  }
  func.func @transform_9(%arg0: i32) -> (i32, i32, i32) {
    %c0_i32 = arith.constant 0 : i32
    %c0_i32_0 = arith.constant 0 : i32
    %c0_i32_1 = arith.constant 0 : i32
    %c0_i32_2 = arith.constant 0 : i32
    return %c0_i32, %c0_i32_0, %c0_i32_1 : i32, i32, i32
  }
  func.func @transform_10(%arg0: i32) -> (i32, i32, i32) {
    %c0_i32 = arith.constant 0 : i32
    %c0_i32_0 = arith.constant 0 : i32
    %c0_i32_1 = arith.constant 0 : i32
    %c0_i32_2 = arith.constant 0 : i32
    return %c0_i32, %c0_i32_0, %c0_i32_1 : i32, i32, i32
  }
  func.func @transform_11(%arg0: i32) -> (i32, i32) {
    %c0_i32 = arith.constant 0 : i32
    %c0_i32_0 = arith.constant 0 : i32
    %c0_i32_1 = arith.constant 0 : i32
    return %c0_i32, %c0_i32_0 : i32, i32
  }
  func.func @transform_12(%arg0: i32) -> i32 {
    %c0_i32 = arith.constant 0 : i32
    %c0_i32_0 = arith.constant 0 : i32
    return %c0_i32 : i32
  }
  func.func @transform_13(%arg0: i32) -> (i32, i32) {
    %c0_i32 = arith.constant 0 : i32
    %c0_i32_0 = arith.constant 0 : i32
    %c0_i32_1 = arith.constant 0 : i32
    return %c0_i32, %c0_i32_0 : i32, i32
  }
  func.func @transform_14(%arg0: i32) -> i32 {
    %c0_i32 = arith.constant 0 : i32
    %c0_i32_0 = arith.constant 0 : i32
    return %c0_i32 : i32
  }
  func.func @transform_15(%arg0: i32) -> (i32, i32) {
    %c0_i32 = arith.constant 0 : i32
    %c0_i32_0 = arith.constant 0 : i32
    %c0_i32_1 = arith.constant 0 : i32
    return %c0_i32, %c0_i32_0 : i32, i32
  }
  func.func @transform_16(%arg0: i32) -> i32 {
    %c0_i32 = arith.constant 0 : i32
    %c0_i32_0 = arith.constant 0 : i32
    return %c0_i32 : i32
  }
  func.func @transform_17(%arg0: i32) -> (i32, i32, i32) {
    %c0_i32 = arith.constant 0 : i32
    %c0_i32_0 = arith.constant 0 : i32
    %c0_i32_1 = arith.constant 0 : i32
    return %arg0, %c0_i32, %c0_i32_0 : i32, i32, i32
  }
  func.func @transform_18(%arg0: i32) -> (i32, i32) {
    %c0_i32 = arith.constant 0 : i32
    %c0_i32_0 = arith.constant 0 : i32
    return %arg0, %c0_i32 : i32, i32
  }
  func.func @transform_19(%arg0: i32) -> (i32, i32) {
    %c0_i32 = arith.constant 0 : i32
    %c0_i32_0 = arith.constant 0 : i32
    %c0_i32_1 = arith.constant 0 : i32
    return %c0_i32, %c0_i32_0 : i32, i32
  }
  func.func @transform_20(%arg0: i32) -> (i32, i32) {
    %c0_i32 = arith.constant 0 : i32
    %c0_i32_0 = arith.constant 0 : i32
    %c0_i32_1 = arith.constant 0 : i32
    return %c0_i32, %c0_i32_0 : i32, i32
  }
}

module attributes {stable_mosaic.version = 14 : i64} {
  func.func @_dense2_body(%arg0: i32, %arg1: memref<126x128xf32, #tpu.memory_space<vmem>>, %arg2: memref<126x128xf32, #tpu.memory_space<vmem>>, %arg3: memref<6400x128xf32, #tpu.memory_space<vmem>>, %arg4: memref<128x100xf32, #tpu.memory_space<vmem>>, %arg5: memref<128x26xf32, #tpu.memory_space<vmem>>, %arg6: memref<128x50xf32, #tpu.memory_space<vmem>>, %arg7: memref<128xf32, #tpu.memory_space<vmem>>, %arg8: memref<128xf32, #tpu.memory_space<vmem>>, %arg9: memref<128x128xf32, #tpu.memory_space<vmem>>, %arg10: memref<128xf32, #tpu.memory_space<vmem>>, %arg11: memref<1024x176x128xf32, #tpu.memory_space<hbm>>, %arg12: memref<1024x176xf32, #tpu.memory_space<hbm>>, %arg13: memref<128x176x128xf32, #tpu.memory_space<vmem>>, %arg14: memref<128x176xf32, #tpu.memory_space<vmem>>) attributes {dimension_semantics = [#tpu.dimension_semantics<arbitrary>], iteration_bounds = array<i64: 6>, scalar_prefetch = 0 : i64, scratch_operands = 0 : i64, tpu.core_type = #tpu.core_type<tc>, window_params = [{pipeline_mode = #tpu.pipeline_mode<synchronous>, transform_indices = @transform_0, window_bounds = array<i64: 126, 128>}, {pipeline_mode = #tpu.pipeline_mode<synchronous>, transform_indices = @transform_1, window_bounds = array<i64: 126, 128>}, {transform_indices = @transform_2, window_bounds = array<i64: 6400, 128>}, {transform_indices = @transform_3, window_bounds = array<i64: 128, 100>}, {transform_indices = @transform_4, window_bounds = array<i64: 128, 26>}, {transform_indices = @transform_5, window_bounds = array<i64: 128, 50>}, {pipeline_mode = #tpu.pipeline_mode<synchronous>, transform_indices = @transform_6, window_bounds = array<i64: 128>}, {pipeline_mode = #tpu.pipeline_mode<synchronous>, transform_indices = @transform_7, window_bounds = array<i64: 128>}, {pipeline_mode = #tpu.pipeline_mode<synchronous>, transform_indices = @transform_8, window_bounds = array<i64: 128, 128>}, {pipeline_mode = #tpu.pipeline_mode<synchronous>, transform_indices = @transform_9, window_bounds = array<i64: 128>}, {}, {}, {transform_indices = @transform_12, window_bounds = array<i64: 128, 176, 128>}, {transform_indices = @transform_13, window_bounds = array<i64: 128, 176>}]} {
    %get3A = arith.constant 0 : index
    %get3A_0 = arith.constant 0 : index
    %get3A_1 = vector.load %arg1[%get3A, %get3A_0] : memref<126x128xf32, #tpu.memory_space<vmem>>, vector<126x128xf32>
    %get3A_2 = arith.constant 0 : index
    %get3A_3 = arith.constant 0 : index
    %get3A_4 = vector.load %arg2[%get3A_2, %get3A_3] : memref<126x128xf32, #tpu.memory_space<vmem>>, vector<126x128xf32>
    %get3A_5 = arith.constant 0 : index
    %get3A_6 = vector.load %arg7[%get3A_5] : memref<128xf32, #tpu.memory_space<vmem>>, vector<128xf32>
    %broadcast_in_dim3A = vector.shape_cast %get3A_6 : vector<128xf32> to vector<1x128xf32>
    %get3A_7 = arith.constant 0 : index
    %get3A_8 = vector.load %arg8[%get3A_7] : memref<128xf32, #tpu.memory_space<vmem>>, vector<128xf32>
    %broadcast_in_dim3A_9 = vector.shape_cast %get3A_8 : vector<128xf32> to vector<1x128xf32>
    %get3A_10 = arith.constant 0 : index
    %get3A_11 = arith.constant 0 : index
    %get3A_12 = vector.load %arg4[%get3A_10, %get3A_11] : memref<128x100xf32, #tpu.memory_space<vmem>>, vector<128x100xf32>
    %get3A_13 = arith.constant 0 : index
    %get3A_14 = arith.constant 0 : index
    %get3A_15 = vector.load %arg5[%get3A_13, %get3A_14] : memref<128x26xf32, #tpu.memory_space<vmem>>, vector<128x26xf32>
    %concatenate3A = tpu.concatenate %get3A_12, %get3A_15 in 1 : vector<128x100xf32>, vector<128x26xf32> -> vector<128x126xf32>
    %broadcast_in_dim3A_16 = vector.shape_cast %concatenate3A : vector<128x126xf32> to vector<128x126x1xf32>
    %broadcast_in_dim3A_17 = vector.shape_cast %get3A_1 : vector<126x128xf32> to vector<1x126x128xf32>
    %mul3A = vector.broadcast %broadcast_in_dim3A_16 : vector<128x126x1xf32> to vector<128x126x128xf32>
    %mul3A_18 = vector.broadcast %broadcast_in_dim3A_17 : vector<1x126x128xf32> to vector<128x126x128xf32>
    %mul3A_19 = arith.mulf %mul3A, %mul3A_18 : vector<128x126x128xf32>
    %broadcast_in_dim3A_20 = vector.shape_cast %get3A_4 : vector<126x128xf32> to vector<1x126x128xf32>
    %add3A = vector.broadcast %broadcast_in_dim3A_20 : vector<1x126x128xf32> to vector<128x126x128xf32>
    %add3A_21 = arith.addf %mul3A_19, %add3A : vector<128x126x128xf32>
    %get3A_22 = arith.constant 0 : index
    %get3A_23 = arith.constant 0 : index
    %get3A_24 = vector.load %arg3[%get3A_22, %get3A_23] : memref<6400x128xf32, #tpu.memory_space<vmem>>, vector<6400x128xf32>
    %reduce_sum3A = arith.constant dense<0.000000e+00> : vector<6400xf32>
    %reduce_sum3A_25 = vector.multi_reduction <add>, %get3A_24, %reduce_sum3A [1] : vector<6400x128xf32> to vector<6400xf32>
    %broadcast_in_dim3A_26 = vector.shape_cast %reduce_sum3A_25 : vector<6400xf32> to vector<6400x1xf32>
    %div3A = arith.constant 1.280000e+02 : f32
    %div3A_27 = vector.broadcast %div3A : f32 to vector<6400x1xf32>
    %div3A_28 = arith.divf %broadcast_in_dim3A_26, %div3A_27 : vector<6400x1xf32>
    %sub3A = vector.broadcast %div3A_28 : vector<6400x1xf32> to vector<6400x128xf32>
    %sub3A_29 = arith.subf %get3A_24, %sub3A : vector<6400x128xf32>
    %integer_pow3A = arith.mulf %sub3A_29, %sub3A_29 : vector<6400x128xf32>
    %reduce_sum3A_30 = arith.constant dense<0.000000e+00> : vector<6400xf32>
    %reduce_sum3A_31 = vector.multi_reduction <add>, %integer_pow3A, %reduce_sum3A_30 [1] : vector<6400x128xf32> to vector<6400xf32>
    %broadcast_in_dim3A_32 = vector.shape_cast %reduce_sum3A_31 : vector<6400xf32> to vector<6400x1xf32>
    %div3A_33 = arith.constant 1.280000e+02 : f32
    %div3A_34 = vector.broadcast %div3A_33 : f32 to vector<6400x1xf32>
    %div3A_35 = arith.divf %broadcast_in_dim3A_32, %div3A_34 : vector<6400x1xf32>
    %sub3A_36 = vector.broadcast %div3A_28 : vector<6400x1xf32> to vector<6400x128xf32>
    %sub3A_37 = arith.subf %get3A_24, %sub3A_36 : vector<6400x128xf32>
    %add3A_38 = arith.constant 9.99999974E-6 : f32
    %add3A_39 = vector.broadcast %add3A_38 : f32 to vector<6400x1xf32>
    %add3A_40 = arith.addf %div3A_35, %add3A_39 : vector<6400x1xf32>
    %rsqrt3A = math.rsqrt %add3A_40 : vector<6400x1xf32>
    %mul3A_41 = vector.broadcast %rsqrt3A : vector<6400x1xf32> to vector<6400x128xf32>
    %mul3A_42 = arith.mulf %sub3A_37, %mul3A_41 : vector<6400x128xf32>
    %mul3A_43 = vector.broadcast %broadcast_in_dim3A : vector<1x128xf32> to vector<6400x128xf32>
    %mul3A_44 = arith.mulf %mul3A_42, %mul3A_43 : vector<6400x128xf32>
    %add3A_45 = vector.broadcast %broadcast_in_dim3A_9 : vector<1x128xf32> to vector<6400x128xf32>
    %add3A_46 = arith.addf %mul3A_44, %add3A_45 : vector<6400x128xf32>
    %get3A_47 = arith.constant 0 : index
    %get3A_48 = arith.constant 0 : index
    %get3A_49 = vector.load %arg9[%get3A_47, %get3A_48] : memref<128x128xf32, #tpu.memory_space<vmem>>, vector<128x128xf32>
    %dot_general3A = arith.constant dense<0.000000e+00> : vector<6400x128xf32>
    %dot_general3A_50 = tpu.matmul %add3A_46, %get3A_49, %dot_general3A {dimension_numbers = #tpu.dot_dimension_numbers<[1], [0], [0], [1], [0, 0, 1, 1], [], []>, transpose_lhs_hint = false} : vector<6400x128xf32>, vector<128x128xf32>, vector<6400x128xf32> -> vector<6400x128xf32>
    %get3A_51 = arith.constant 0 : index
    %get3A_52 = vector.load %arg10[%get3A_51] : memref<128xf32, #tpu.memory_space<vmem>>, vector<128xf32>
    %broadcast_in_dim3A_53 = vector.shape_cast %get3A_52 : vector<128xf32> to vector<1x128xf32>
    %add3A_54 = vector.broadcast %broadcast_in_dim3A_53 : vector<1x128xf32> to vector<6400x128xf32>
    %add3A_55 = arith.addf %dot_general3A_50, %add3A_54 : vector<6400x128xf32>
    %reshape3A = vector.shape_cast %add3A_55 : vector<6400x128xf32> to vector<128x50x128xf32>
    %concatenate3A_56 = tpu.concatenate %add3A_21, %reshape3A in 1 : vector<128x126x128xf32>, vector<128x50x128xf32> -> vector<128x176x128xf32>
    %swap3A = arith.constant 0 : index
    %swap3A_57 = arith.constant 0 : index
    %swap3A_58 = arith.constant 0 : index
    %swap3A_59 = vector.load %arg13[%swap3A, %swap3A_57, %swap3A_58] : memref<128x176x128xf32, #tpu.memory_space<vmem>>, vector<128x176x128xf32>
    tpu.vector_store %arg13[%swap3A, %swap3A_57, %swap3A_58], %concatenate3A_56 {strides = array<i32>} : memref<128x176x128xf32, #tpu.memory_space<vmem>>, vector<128x176x128xf32>,
    %broadcast_in_dim3A_60 = arith.constant 1.000000e+00 : f32
    %broadcast_in_dim3A_61 = vector.broadcast %broadcast_in_dim3A_60 : f32 to vector<128x126xf32>
    %get3A_62 = arith.constant 0 : index
    %get3A_63 = arith.constant 0 : index
    %get3A_64 = vector.load %arg6[%get3A_62, %get3A_63] : memref<128x50xf32, #tpu.memory_space<vmem>>, vector<128x50xf32>
    %concatenate3A_65 = tpu.concatenate %broadcast_in_dim3A_61, %get3A_64 in 1 : vector<128x126xf32>, vector<128x50xf32> -> vector<128x176xf32>
    %swap3A_66 = arith.constant 0 : index
    %swap3A_67 = arith.constant 0 : index
    %swap3A_68 = vector.load %arg14[%swap3A_66, %swap3A_67] : memref<128x176xf32, #tpu.memory_space<vmem>>, vector<128x176xf32>
    tpu.vector_store %arg14[%swap3A_66, %swap3A_67], %concatenate3A_65 {strides = array<i32>} : memref<128x176xf32, #tpu.memory_space<vmem>>, vector<128x176xf32>,
    return
  }
  func.func @transform_0(%arg0: i32) -> (i32, i32) {
    %c0_i32 = arith.constant 0 : i32
    %c0_i32_0 = arith.constant 0 : i32
    %c0_i32_1 = arith.constant 0 : i32
    return %c0_i32, %c0_i32_0 : i32, i32
  }
  func.func @transform_1(%arg0: i32) -> (i32, i32) {
    %c0_i32 = arith.constant 0 : i32
    %c0_i32_0 = arith.constant 0 : i32
    %c0_i32_1 = arith.constant 0 : i32
    return %c0_i32, %c0_i32_0 : i32, i32
  }
  func.func @transform_2(%arg0: i32) -> (i32, i32) {
    %c0_i32 = arith.constant 0 : i32
    %c0_i32_0 = arith.constant 0 : i32
    return %arg0, %c0_i32 : i32, i32
  }
  func.func @transform_3(%arg0: i32) -> (i32, i32) {
    %add3A = arith.constant 2 : i32
    %add3A_0 = arith.addi %arg0, %add3A : i32
    %c0_i32 = arith.constant 0 : i32
    %c0_i32_1 = arith.constant 0 : i32
    return %add3A_0, %c0_i32 : i32, i32
  }
  func.func @transform_4(%arg0: i32) -> (i32, i32) {
    %add3A = arith.constant 2 : i32
    %add3A_0 = arith.addi %arg0, %add3A : i32
    %c0_i32 = arith.constant 0 : i32
    %c0_i32_1 = arith.constant 0 : i32
    return %add3A_0, %c0_i32 : i32, i32
  }
  func.func @transform_5(%arg0: i32) -> (i32, i32) {
    %add3A = arith.constant 2 : i32
    %add3A_0 = arith.addi %arg0, %add3A : i32
    %c0_i32 = arith.constant 0 : i32
    %c0_i32_1 = arith.constant 0 : i32
    return %add3A_0, %c0_i32 : i32, i32
  }
  func.func @transform_6(%arg0: i32) -> i32 {
    %c0_i32 = arith.constant 0 : i32
    %c0_i32_0 = arith.constant 0 : i32
    return %c0_i32 : i32
  }
  func.func @transform_7(%arg0: i32) -> i32 {
    %c0_i32 = arith.constant 0 : i32
    %c0_i32_0 = arith.constant 0 : i32
    return %c0_i32 : i32
  }
  func.func @transform_8(%arg0: i32) -> (i32, i32) {
    %c0_i32 = arith.constant 0 : i32
    %c0_i32_0 = arith.constant 0 : i32
    %c0_i32_1 = arith.constant 0 : i32
    return %c0_i32, %c0_i32_0 : i32, i32
  }
  func.func @transform_9(%arg0: i32) -> i32 {
    %c0_i32 = arith.constant 0 : i32
    %c0_i32_0 = arith.constant 0 : i32
    return %c0_i32 : i32
  }
  func.func @transform_12(%arg0: i32) -> (i32, i32, i32) {
    %add3A = arith.constant 2 : i32
    %add3A_0 = arith.addi %arg0, %add3A : i32
    %c0_i32 = arith.constant 0 : i32
    %c0_i32_1 = arith.constant 0 : i32
    %c0_i32_2 = arith.constant 0 : i32
    return %add3A_0, %c0_i32, %c0_i32_1 : i32, i32, i32
  }
  func.func @transform_13(%arg0: i32) -> (i32, i32) {
    %add3A = arith.constant 2 : i32
    %add3A_0 = arith.addi %arg0, %add3A : i32
    %c0_i32 = arith.constant 0 : i32
    %c0_i32_1 = arith.constant 0 : i32
    return %add3A_0, %c0_i32 : i32, i32
  }
}

</mosaic_0001>

<sc_bundles>
// kernel: kernel.6.cloned.1.call-start
scs
__scs_entry_jumppad:
0x0: {  	(pc) =	sbr.rel $0x88, $3  }
0x1: {  	(tag) =	ssettag $0x0;
	lr =	simm.s32 $0x1  }
0x2: {  	[smem:$0x3F8E] =	sst lr;
	_ =	strace $0xD0000000  }
0x3: {  	_ = 	snop  }
0x4: {  	_ = 	snop  }
0x5: {  	_ = 	snop  }
0x6: {  	_ = 	snop  }
0x7: {  	_ = 	snop  }
__scs_overlays_trampoline_lowered:
0x8: {  	[smem:$0x3F9D] =	sst s0  }
0x9: {  	[smem:$0x3F9E] =	sst s1  }
0xa: {  	[smem:$0x3F9F] =	sst s2  }
0xb: {  	[smem:$0x3FA0] =	sst s3  }
0xc: {  	[smem:$0x3FA1] =	sst s4  }
0xd: {  	[smem:$0x3FA2] =	sst s5  }
0xe: {  	[smem:$0x3FA3] =	sst s6  }
0xf: {  	[smem:$0x3FA4] =	sst s7  }
0x10: {  	[smem:$0x3FA5] =	sst s8  }
0x11: {  	[smem:$0x3FA6] =	sst s9;
	s0 =	simm.s32 @!p0 $0x0  }
0x12: {  	s1 =	sld [smem:$0x3F8C];
	s0 =	simm.s32 @p0 $0x1  }
0x13: {  	[smem:$0x3FA7] =	sst s0;
	s0 =	simm.s32 @!p1 $0x0  }
0x14: {  	s2 =	sld [smem:$0x3F8B];
	s0 =	simm.s32 @p1 $0x1  }
0x15: {  	[smem:$0x3FA8] =	sst s0;
	s0 =	simm.s32 @!p2 $0x0  }
0x16: {  	s3 =	sld [smem:$0x3FDB];
	s0 =	simm.s32 @p2 $0x1  }
0x17: {  	s4 =	simm.s32 $0x1BF5;
	[smem:$0x3FAA] =	sst s0  }
0x18: {  	s0 =	sld [smem:$0x3F8D];
	_ =	swait.ge [sflag:s4], $0x0  }
0x19: {  	s7 =	sld [smem:$0x3F8E]  }
0x1a: {  	s8 =	sadd.s32 $0xFFFFE003, lr  }
0x1b: {  	s9 =	sadd.s32 $0xFFFFFEF7, lr;
	s5 =	simm.s32 $0xFFFFFFFF;
	p2 =	slt.u32 s8, $0xFFFFF086  }
0x1c: {  	p1 =	slt.u32 s9, $0xF7A;
	s5 =	simm.s32 @!p2 $0x0  }
0x1d: {  	s5 =	simm.s32 @p1 $0x1;
	p0 =	seq.s32 s7, s2  }
0x1e: {  	s7 =	smul.u32 @!p0 $0xF7A, s2;
	p2 =	seq.s32 @!p0 s5, $0x0  }
0x1f: {  	s9 =	smul.u32 $0xF7A, s1;
	s8 =	simm.s32 @!p0 $0x1BF5;
	p2 =	por !p2, p0  }
0x20: {  	[sflag:s8] =	ssyncset.s32 @!p0 $0xFFFFF086;
	s6 =	sadd.s32 @!p0 s3, s7;
	s7 =	simm.s32 @!p0 $0x108  }
0x21: {  	s3 =	sadd.s32 s3, s9;
	s6 =	sadd.s32 @!p0 $0x88, s6;
	s7 =	simm.s32 @p2 $0x1082  }
0x22: {  	[simem:s7], [sflag:s8] =	dma.local @!p0 [hbm:s6], $0xF7A  }
0x23: {  	s9 =	sor.u32 $0xD0000000, s2;
	s6 =	simm.s32 $0x108;
	_ =	swait.ge @!p0 [sflag:s8], $0x0  }
0x24: {  	s3 =	sadd.s32 $0x88, s3;
	s6 =	simm.s32 @!p1 $0x1082;
	[sflag:s4] =	ssyncset.s32 $0xFFFFF086  }
0x25: {  	[simem:s6], [sflag:s4] =	dma.local [hbm:s3], $0xF7A  }
0x26: {  	[smem:$0x3F8E] =	sst s1;
	(tag) =	ssettag s2;
	_ =	strace s9  }
0x27: {  	s1 =	sld [smem:$0x3F9E]  }
0x28: {  	s2 =	sld [smem:$0x3F9F]  }
0x29: {  	s4 =	sld [smem:$0x3FA1]  }
0x2a: {  	p0 =	seq.s32 s5, $0x0;
	s5 =	sld [smem:$0x3FA2]  }
0x2b: {  	s6 =	sld [smem:$0x3FA3]  }
0x2c: {  	s7 =	sld [smem:$0x3FA4]  }
0x2d: {  	s3 =	simm.s32 $0x108;
	s8 =	sld [smem:$0x3FA5]  }
0x2e: {  	s3 =	simm.s32 @!p0 $0x1082;
	s9 =	sld [smem:$0x3FA6]  }
0x2f: {  	lr =	sadd.s32 s0, s3;
	s0 =	sld [smem:$0x3F9D]  }
0x30: {  	s3 =	sld [smem:$0x3FA0]  }
0x31: {  	[smem:$0x3FA9] =	sst s10  }
0x32: {  	s10 =	sld [smem:$0x3FA7];
	_ =	sdelay $0x3  }
0x33: {  	p0 =	seq.s32 s10, $0x1;
	s10 =	sld [smem:$0x3FA9];
	_ =	sdelay $0x3  }
0x34: {  	[smem:$0x3FA9] =	sst s10  }
0x35: {  	s10 =	sld [smem:$0x3FA8];
	_ =	sdelay $0x3  }
0x36: {  	p1 =	seq.s32 s10, $0x1;
	s10 =	sld [smem:$0x3FA9];
	_ =	sdelay $0x3  }
0x37: {  	[smem:$0x3FA9] =	sst s10  }
0x38: {  	s10 =	sld [smem:$0x3FAA]  }
0x39: {  	_ = 	snop;
	(pc) =	sbr.ind lr, $3  }
0x3a: {  	_ = 	snop  }
0x3b: {  	_ = 	snop  }
0x3c: {  	p2 =	seq.s32 s10, $0x1;
	s10 =	sld [smem:$0x3FA9]  }
0x3d: {  	_ =	shalt  }
0x3e: {  	_ =	shalt  }
0x3f: {  	_ =	shalt  }
0x40: {  	_ =	shalt  }
0x41: {  	_ =	shalt  }
0x42: {  	_ =	shalt  }
0x43: {  	_ =	shalt  }
0x44: {  	_ =	shalt  }
0x45: {  	_ =	shalt  }
0x46: {  	_ =	shalt  }
0x47: {  	_ =	shalt  }
0x48: {  	_ =	shalt  }
0x49: {  	_ =	shalt  }
0x4a: {  	_ =	shalt  }
0x4b: {  	_ =	shalt  }
0x4c: {  	_ =	shalt  }
0x4d: {  	_ =	shalt  }
0x4e: {  	_ =	shalt  }
0x4f: {  	_ =	shalt  }
0x50: {  	_ =	shalt  }
0x51: {  	_ =	shalt  }
0x52: {  	_ =	shalt  }
0x53: {  	_ =	shalt  }
0x54: {  	_ =	shalt  }
0x55: {  	_ =	shalt  }
0x56: {  	_ =	shalt  }
0x57: {  	_ =	shalt  }
0x58: {  	_ =	shalt  }
0x59: {  	_ =	shalt  }
0x5a: {  	_ =	shalt  }
0x5b: {  	_ =	shalt  }
0x5c: {  	_ =	shalt  }
0x5d: {  	_ =	shalt  }
0x5e: {  	_ =	shalt  }
0x5f: {  	_ =	shalt  }
0x60: {  	_ =	shalt  }
0x61: {  	_ =	shalt  }
0x62: {  	_ =	shalt  }
0x63: {  	_ =	shalt  }
0x64: {  	_ =	shalt  }
0x65: {  	_ =	shalt  }
0x66: {  	_ =	shalt  }
0x67: {  	_ =	shalt  }
0x68: {  	_ =	shalt  }
0x69: {  	_ =	shalt  }
0x6a: {  	_ =	shalt  }
0x6b: {  	_ =	shalt  }
0x6c: {  	_ =	shalt  }
0x6d: {  	_ =	shalt  }
0x6e: {  	_ =	shalt  }
0x6f: {  	_ =	shalt  }
0x70: {  	_ =	shalt  }
0x71: {  	_ =	shalt  }
0x72: {  	_ =	shalt  }
0x73: {  	_ =	shalt  }
0x74: {  	_ =	shalt  }
0x75: {  	_ =	shalt  }
0x76: {  	_ =	shalt  }
0x77: {  	_ =	shalt  }
0x78: {  	_ =	shalt  }
0x79: {  	_ =	shalt  }
0x7a: {  	_ =	shalt  }
0x7b: {  	_ =	shalt  }
0x7c: {  	_ =	shalt  }
0x7d: {  	_ =	shalt  }
0x7e: {  	_ =	shalt  }
0x7f: {  	_ =	shalt  }
0x80: {  	_ =	shalt  }
0x81: {  	_ =	shalt  }
0x82: {  	_ =	shalt  }
0x83: {  	_ =	shalt  }
0x84: {  	_ =	shalt  }
0x85: {  	_ =	shalt  }
0x86: {  	_ =	shalt  }
0x87: {  	_ =	shalt  }
.Lfunc_end0:
.L_simem_size_0:
called_computation_lowered:
.L_overlay_start_0:
0x88: {  	s2 =	sld [smem:$0x3FD9]  }
0x89: {  	s3 =	sld [smem:$0x3FFE];
	_ =	sdelay $0x1  }
0x8a: {  	s1 =	srdreg.scid  }
0x8b: {  	s0 =	sand.u32 $0x1, s1  }
0x8c: {  	s14 =	sshll.u32 s0, $0xA;
	s2 =	sadd.s32 s3, s2  }
0x8d: {  	s2 =	sadd.s32 s2, s14  }
0x8e: {  	[smem:$0x3FB5] =	sst s2  }
0x8f: {  	_ = 	snop  }
0x90: {  	s2 =	sld [smem:$0x3FD0];
	_ =	sdelay $0x2  }
0x91: {  	s4 =	simm.s32 $0xB;
	s5 =	simm.s32 $0x10;
	s15 =	sld [smem:$0x3FC1]  }
0x92: {  	[smem:s5], [sflag:s4] =	dma.local [hbm:s2], $0x1  }
0x93: {  	_ =	swait.eq [sflag:s4], $0x1  }
0x94: {  	[sflag:s4] =	ssyncset.done $0x0  }
0x95: {  	s16 =	sld [smem:$0x10];
	[sflag:s4] =	ssyncadd.s32 $0xFFFFFFFF  }
0x96: {  	s17 =	sld [smem:$0x11];
	(tm) =	ssettm $0x1  }
0x97: {  	s18 =	sld [smem:$0x3FFB];
	_ =	sdelay $0x3  }
0x98: {  	_ =	strace s18  }
0x99: {  	s5 =	sld [smem:$0x3FFC];
	_ =	sdelay $0x3  }
0x9a: {  	_ =	strace s5  }
0x9b: {  	s5 =	sld [smem:$0x3FFD];
	_ =	sdelay $0x3  }
0x9c: {  	_ =	strace s5  }
0x9d: {  	_ =	strace $0x8FFFFFFF  }
0x9e: {  	s19 =	sld [smem:$0x3FDB];
	_ =	sdelay $0x1  }
0x9f: {  	s6 =	simm.s32 $_scs_section_size  }
0xa0: {  	s7 =	simm.s32 $_size__tile_overlayer_lowered;
	s8 =	simm.s32 $_tile_overlayer_lowered  }
0xa1: {  	s22 =	simm.s32 $0x1BFF;
	s21 =	sshll.u32 s8, $0x1;
	s5 =	sadd.s32 s6, s19  }
0xa2: {  	s9 =	simm.s32 $0x0;
	s20 =	sshll.u32 s7, $0x1;
	s7 =	sadd.s32 s21, s5  }
0xa3: {  	[timem:s9], [sflag:s22] =	dma.local [hbm:s7], s20  }
0xa4: {  	_ =	swait.ge [sflag:s22], s20  }
0xa5: {  	s6 =	ssub.s32 $0x0, s20;
	[sflag:s22] =	ssyncset.done $0x0  }
0xa6: {  	[sflag:s22] =	ssyncadd.s32 s6;
	_ =	sdelay $0x1  }
0xa7: {  	s23 =	simm.s32 $0x1B8B  }
0xa8: {  	_ =	swait.ge [sflag:s23], $0x1  }
0xa9: {  	[sflag:s23] =	ssyncset.done $0x0  }
0xaa: {  	s25 =	simm.s32 $0x1B8E;
	s24 =	sld [smem:$0x3FFE];
	[sflag:s23] =	ssyncadd.s32 $0xFFFFFFFF  }
0xab: {  	s26 =	simm.s32 $execute0_lowered;
	[smem:$0x3FD2] =	sst s25  }
0xac: {  	s7 =	sshll.u32 s26, $0x1;
	_ =	strace $0x80000046;
	[dreg:$0x1] =	wrdreg $0xFFFFFFFF  }
0xad: {  	s28 =	simm.s32 $_size_execute0_lowered;
	s5 =	sadd.s32 s5, s7;
	[dreg:$0x0] =	wrdreg $0x0  }
0xae: {  	s7 =	sshll.u32 s28, $0x1;
	[dreg:$0x2] =	wrdreg s5  }
0xaf: {  	[dreg:$0x3] =	wrdreg s7  }
0xb0: {  	[dreg:$0x4] =	wrdreg $0xC0  }
0xb1: {  	_ =	task [dreg:s9], $0x5FFFF  }
0xb2: {  	[dreg:$0x1] =	wrdreg $0xFFFFFFFF  }
0xb3: {  	[dreg:$0x0] =	wrdreg $0x60  }
0xb4: {  	[dreg:$0x2] =	wrdreg s15  }
0xb5: {  	[dreg:$0x3] =	wrdreg s24  }
0xb6: {  	[dreg:$0x4] =	wrdreg s17  }
0xb7: {  	[dreg:$0x5] =	wrdreg s16  }
0xb8: {  	[dreg:$0x6] =	wrdreg $0x9  }
0xb9: {  	_ =	task.clear_ibuf [dreg:s9], $0x7FFFF;
	_ =	strace $0x90000046  }
0xba: {  	s29 =	simm.s32 $0x9;
	_ =	strace $0x80000048  }
0xbb: {  	_ =	swait.ge [sflag:s29], $0x1  }
0xbc: {  	[sflag:s29] =	ssyncadd.s32 $0xFFFFFFFF  }
0xbd: {  	_ =	strace $0x90000048  }
0xbe: {  	_ =	sfence  }
0xbf: {  	s30 =	sld [smem:$0x0];
	_ =	sdelay $0x2  }
0xc0: {  	s31 =	sshll.u32 s1, $0xD;
	s1 =	sshrl.u32 s1, $0x2  }
0xc1: {  	s3 =	sand.u32 $0x4000, s31;
	s1 =	sadd.s32 s1, s30  }
0xc2: {  	s0 =	sor.u32 s3, s0;
	s1 =	sshll.u32 s1, $0x11  }
0xc3: {  	s0 =	sor.u32 s1, s0  }
0xc4: {  	s0 =	sadd.s32 $0x8F2B, s0  }
0xc5: {  	[sflag:s0] =	ssyncadd.remote.s32 $0x1  }
0xc6: {  	_ =	sfence.sel $0xFFFF  }
0xc7: {  	[dreg:$0x0] =	wrdreg $0xFFFFFFFF;
	(pc) =	sbr.abs _section_cstart, $3  }
0xc8: {  	[dreg:$0x1] =	wrdreg $0xFFFFFFFF  }
0xc9: {  	_ =	task.clear_ibuf [dreg:s9], $0x2FFFF;
	_ =	strace $0x9FFFFFFF  }
0xca: {  	(tm) =	ssettm $0x7FFFFFFF  }
0xcb: {  	_ =	shalt  }
tec
execute0_lowered:
.L_overlay_start_1:
0x0: {  	(tag) =	ssettag $0x1  }
0x1: {  	s3 =	rddreg [dreg:$0x0]  }
0x2: {  	s0 =	rddreg [dreg:$0x1]  }
0x3: {  	s1 =	rddreg [dreg:$0x2]  }
0x4: {  	s4 =	rddreg [dreg:$0x3];
	s5 =	srdreg.scid  }
0x5: {  	s6 =	stileid.u32;
	s2 =	simm.s32 $0x0;
	s24 =	simm.s32 $0xB  }
0x6: {  	s22 =	simm.s32 $0x20;
	s23 =	simm.s32 $0x80;
	s16 =	simm.s32 $0x4200  }
0x7: {  	s28 =	simm.s32 $0xA0;
	s14 =	simm.s32 $0x8200;
	s31 =	simm.s32 $0x120  }
0x8: {  	s11 =	simm.s32 $0xC200;
	s29 =	simm.s32 $0x1;
	s25 =	simm.s32 $0x10  }
0x9: {  	s30 =	simm.s32 $0x1A0;
	s12 =	simm.s32 $0x10200;
	s26 =	simm.s32 $0x2  }
0xa: {  	s21 =	simm.s32 $0x3;
	p0 =	por $0x0, $0x0;
	s15 =	simm.s32 $0x7  }
0xb: {  	s13 =	simm.s32 $0x8;
	s5 =	sand.u32 $0x1, s5;
	s6 =	sshll.u32 s6, $0x1  }
0xc: {  	s10 =	simm.s32 $0x9;
	[smem:$0x7FF] =	sst s2;
	s6 =	sor.u32 s5, s6  }
0xd: {  	_ =	strace $0x80000047;
	s5 =	ssub.s32 $0x2, s5;
	s17 =	smul.u32 $0xC800, s6  }
0xe: {  	s7 =	sshll.u32 s6, $0x2;
	s8 =	sshrl.u32 s5, $0x1;
	s9 =	smul.u32 $0x32, s6  }
0xf: {  	s19 =	sshll.u32 s6, $0x9;
	s0 =	sadd.s32 s7, s0;
	s8 =	ssub.s32 s5, s8  }
0x10: {  	s0 =	sadd.s32 $0x2E00, s0;
	s18 =	sshrl.u32 s17, $0x3;
	s20 =	smax.u32 s8, $0x1  }
0x11: {  	s1 =	sadd.s32 s1, s9;
	s9 =	sadd.s32 s4, s19;
	p1 =	sne.s32 s20, $0x1  }
.Ltmp0:
0x12: {  	s19 =	simm.s32 $0x4;
	s17 =	simm.s32 $0x6;
	(pc) =	sbr.rel @!p1 .LBB2_3-.Ltmp0, $4  }
0x13: {  	s8 =	simm.s32 $0xA;
	[dreg:$0x5] =	wrdreg s0;
	s0 =	sadd.s32 s4, s18  }
0x14: {  	[dreg:$0x6] =	wrdreg s1;
	s18 =	simm.s32 $0x200;
	s7 =	sadd.s32 $0x19000, s0  }
0x15: {  	s6 =	sadd.s32 $0x19800, s0;
	s5 =	sadd.s32 $0x1A000, s0;
	s4 =	sadd.s32 $0x1A800, s0  }
0x16: {  	s0 =	sadd.s32 $0xFFFFFFFF, s20;
	s20 =	simm.s32 $0x5;
	s1 =	rddreg [dreg:$0x5]  }
0x17: {  	[tilespmem:s2], [sflag:$0xB] =	stream.linear.gather [hbm4b:s1+s2], $0x20, $0x38;
	[tilespmem:$0x14200] =	vst v63  }
0x18: {  	_ =	swait.ge [sflag:s24], $0x20  }
0x19: {  	[sflag:s24] =	ssyncset.done $0x0  }
0x1a: {  	s1 =	rddreg [dreg:$0x6];
	[sflag:s24] =	ssyncadd.s32 $0xFFFFFFE0  }
0x1b: {  	[tilespmem:s22], [sflag:$0xB] =	stream.linear.gather [hbm4b:s1+s2], $0x190, $0x38;
	[tilespmem:$0x14200] =	vst v63  }
0x1c: {  	_ =	swait.ge [sflag:s24], $0x190  }
0x1d: {  	[sflag:s24] =	ssyncset.done $0x0  }
0x1e: {  	[sflag:s24] =	ssyncadd.s32 $0xFFFFFE70  }
0x1f: {  	[tilespmem:s18], [sflag:$0x1] =	stream.indirect.gather [hbm4b:s3+s22], $0x80, s2, s22, $0xb8;
	[tilespmem:$0x14200] =	vst v63  }
0x20: {  	_ = 	snop  }
0x21: {  	[tilespmem:s16], [sflag:$0x2] =	stream.indirect.gather [hbm4b:s3+s23], $0x80, s22, s23, $0xb8;
	[tilespmem:$0x14200] =	vst v63  }
0x22: {  	_ = 	snop  }
0x23: {  	[tilespmem:s14], [sflag:$0x3] =	stream.indirect.gather [hbm4b:s3+s23], $0x80, s28, s23, $0xb8;
	[tilespmem:$0x14200] =	vst v63  }
0x24: {  	_ = 	snop  }
0x25: {  	[tilespmem:s11], [sflag:$0x4] =	stream.indirect.gather [hbm4b:s3+s23], $0x80, s31, s23, $0xb8;
	[tilespmem:$0x14200] =	vst v63  }
0x26: {  	_ =	swait.ge [sflag:s29], $0x1000  }
0x27: {  	[sflag:s29] =	ssyncset.done $0x0  }
0x28: {  	[sflag:s29] =	ssyncadd.s32 $0xFFFFF000  }
0x29: {  	[hbm4b:s9+s2] =	stream.linear.scatter [tilespmem:s18], [sflag:$0x6], $0x1000, $0x38;
	[tilespmem:$0x14200] =	vst v63  }
0x2a: {  	_ = 	snop  }
0x2b: {  	[tilespmem:s12], [sflag:$0x5] =	stream.indirect.gather [hbm4b:s3+s25], $0x80, s30, s25, $0xb8;
	[tilespmem:$0x14200] =	vst v63  }
0x2c: {  	_ =	swait.ge [sflag:s26], $0x4000  }
0x2d: {  	[sflag:s26] =	ssyncset.done $0x0  }
0x2e: {  	[sflag:s26] =	ssyncadd.s32 $0xFFFFC000  }
0x2f: {  	[hbm4b:s7+s2] =	stream.linear.scatter [tilespmem:s16], [sflag:$0x7], $0x4000, $0x38;
	[tilespmem:$0x14200] =	vst v63  }
0x30: {  	_ =	swait.ge [sflag:s21], $0x4000  }
0x31: {  	[sflag:s21] =	ssyncset.done $0x0  }
0x32: {  	[sflag:s21] =	ssyncadd.s32 $0xFFFFC000  }
0x33: {  	[hbm4b:s6+s2] =	stream.linear.scatter [tilespmem:s14], [sflag:$0x8], $0x4000, $0x38;
	[tilespmem:$0x14200] =	vst v63  }
0x34: {  	_ =	swait.ge [sflag:s19], $0x4000  }
0x35: {  	[sflag:s19] =	ssyncset.done $0x0  }
0x36: {  	[sflag:s19] =	ssyncadd.s32 $0xFFFFC000  }
0x37: {  	[hbm4b:s5+s2] =	stream.linear.scatter [tilespmem:s11], [sflag:$0x9], $0x4000, $0x38;
	[tilespmem:$0x14200] =	vst v63  }
0x38: {  	_ =	swait.ge [sflag:s20], $0x800  }
0x39: {  	[sflag:s20] =	ssyncset.done $0x0  }
0x3a: {  	[sflag:s20] =	ssyncadd.s32 $0xFFFFF800  }
0x3b: {  	[hbm4b:s4+s2] =	stream.linear.scatter [tilespmem:s12], [sflag:$0xA], $0x800, $0x38;
	[tilespmem:$0x14200] =	vst v63  }
0x3c: {  	_ =	swait.ge [sflag:s17], $0x1000  }
0x3d: {  	[sflag:s17] =	ssyncset.done $0x0  }
0x3e: {  	[sflag:s17] =	ssyncadd.s32 $0xFFFFF000  }
0x3f: {  	_ =	swait.ge [sflag:s15], $0x4000  }
0x40: {  	[sflag:s15] =	ssyncset.done $0x0  }
0x41: {  	[sflag:s15] =	ssyncadd.s32 $0xFFFFC000  }
0x42: {  	_ =	swait.ge [sflag:s13], $0x4000  }
0x43: {  	[sflag:s13] =	ssyncset.done $0x0  }
0x44: {  	p1 =	sne.s32 s0, $0x1;
	[sflag:s13] =	ssyncadd.s32 $0xFFFFC000  }
.Ltmp1:
0x45: {  	_ =	swait.ge [sflag:s10], $0x4000;
	(pc) =	sbr.rel @!p1 .LBB2_3-.Ltmp1, $4  }
0x46: {  	[sflag:s10] =	ssyncset.done $0x0  }
0x47: {  	[sflag:s10] =	ssyncadd.s32 $0xFFFFC000  }
0x48: {  	s0 =	sadd.s32 $0xFFFFFFFF, s0;
	_ =	swait.ge [sflag:s8], $0x800  }
0x49: {  	p0 =	por $0x1, $0x1;
	s1 =	rddreg [dreg:$0x5];
	[sflag:s8] =	ssyncset.done $0x0  }
.LBB2_2:
0x4a: {  	[sflag:s8] =	ssyncadd.s32 $0xFFFFF800  }
0x4b: {  	[tilespmem:s2], [sflag:$0xB] =	stream.linear.gather [hbm4b:s1+s2], $0x20, $0x38;
	[tilespmem:$0x14200] =	vst v63  }
0x4c: {  	_ =	swait.ge [sflag:s24], $0x20  }
0x4d: {  	[sflag:s24] =	ssyncset.done $0x0  }
0x4e: {  	s1 =	rddreg [dreg:$0x6];
	[sflag:s24] =	ssyncadd.s32 $0xFFFFFFE0  }
0x4f: {  	[tilespmem:s22], [sflag:$0xB] =	stream.linear.gather [hbm4b:s1+s2], $0x190, $0x38;
	[tilespmem:$0x14200] =	vst v63  }
0x50: {  	_ =	swait.ge [sflag:s24], $0x190  }
0x51: {  	[sflag:s24] =	ssyncset.done $0x0  }
0x52: {  	[sflag:s24] =	ssyncadd.s32 $0xFFFFFE70  }
0x53: {  	[tilespmem:s18], [sflag:$0x1] =	stream.indirect.gather [hbm4b:s3+s22], $0x80, s2, s22, $0xb8;
	[tilespmem:$0x14200] =	vst v63  }
0x54: {  	_ = 	snop  }
0x55: {  	[tilespmem:s16], [sflag:$0x2] =	stream.indirect.gather [hbm4b:s3+s23], $0x80, s22, s23, $0xb8;
	[tilespmem:$0x14200] =	vst v63  }
0x56: {  	_ = 	snop  }
0x57: {  	[tilespmem:s14], [sflag:$0x3] =	stream.indirect.gather [hbm4b:s3+s23], $0x80, s28, s23, $0xb8;
	[tilespmem:$0x14200] =	vst v63  }
0x58: {  	_ = 	snop  }
0x59: {  	[tilespmem:s11], [sflag:$0x4] =	stream.indirect.gather [hbm4b:s3+s23], $0x80, s31, s23, $0xb8;
	[tilespmem:$0x14200] =	vst v63  }
0x5a: {  	_ =	swait.ge [sflag:s29], $0x1000  }
0x5b: {  	[sflag:s29] =	ssyncset.done $0x0  }
0x5c: {  	[sflag:s29] =	ssyncadd.s32 $0xFFFFF000  }
0x5d: {  	[hbm4b:s9+s2] =	stream.linear.scatter [tilespmem:s18], [sflag:$0x6], $0x1000, $0x38;
	[tilespmem:$0x14200] =	vst v63  }
0x5e: {  	_ = 	snop  }
0x5f: {  	[tilespmem:s12], [sflag:$0x5] =	stream.indirect.gather [hbm4b:s3+s25], $0x80, s30, s25, $0xb8;
	[tilespmem:$0x14200] =	vst v63  }
0x60: {  	_ =	swait.ge [sflag:s26], $0x4000  }
0x61: {  	[sflag:s26] =	ssyncset.done $0x0  }
0x62: {  	[sflag:s26] =	ssyncadd.s32 $0xFFFFC000  }
0x63: {  	[hbm4b:s7+s2] =	stream.linear.scatter [tilespmem:s16], [sflag:$0x7], $0x4000, $0x38;
	[tilespmem:$0x14200] =	vst v63  }
0x64: {  	_ =	swait.ge [sflag:s21], $0x4000  }
0x65: {  	[sflag:s21] =	ssyncset.done $0x0  }
0x66: {  	[sflag:s21] =	ssyncadd.s32 $0xFFFFC000  }
0x67: {  	[hbm4b:s6+s2] =	stream.linear.scatter [tilespmem:s14], [sflag:$0x8], $0x4000, $0x38;
	[tilespmem:$0x14200] =	vst v63  }
0x68: {  	_ =	swait.ge [sflag:s19], $0x4000  }
0x69: {  	[sflag:s19] =	ssyncset.done $0x0  }
0x6a: {  	[sflag:s19] =	ssyncadd.s32 $0xFFFFC000  }
0x6b: {  	[hbm4b:s5+s2] =	stream.linear.scatter [tilespmem:s11], [sflag:$0x9], $0x4000, $0x38;
	[tilespmem:$0x14200] =	vst v63  }
0x6c: {  	_ =	swait.ge [sflag:s20], $0x800  }
0x6d: {  	[sflag:s20] =	ssyncset.done $0x0  }
0x6e: {  	[sflag:s20] =	ssyncadd.s32 $0xFFFFF800  }
0x6f: {  	[hbm4b:s4+s2] =	stream.linear.scatter [tilespmem:s12], [sflag:$0xA], $0x800, $0x38;
	[tilespmem:$0x14200] =	vst v63  }
0x70: {  	_ =	swait.ge [sflag:s17], $0x1000  }
0x71: {  	[sflag:s17] =	ssyncset.done $0x0  }
0x72: {  	[sflag:s17] =	ssyncadd.s32 $0xFFFFF000  }
0x73: {  	_ =	swait.ge [sflag:s15], $0x4000  }
0x74: {  	[sflag:s15] =	ssyncset.done $0x0  }
0x75: {  	[sflag:s15] =	ssyncadd.s32 $0xFFFFC000  }
0x76: {  	_ =	swait.ge [sflag:s13], $0x4000  }
0x77: {  	[sflag:s13] =	ssyncset.done $0x0  }
0x78: {  	p1 =	sne.s32 s0, $0x1;
	[sflag:s13] =	ssyncadd.s32 $0xFFFFC000  }
.Ltmp2:
0x79: {  	_ =	swait.ge [sflag:s10], $0x4000;
	(pc) =	sbr.rel @p1 .LBB2_2-.Ltmp2, $4  }
0x7a: {  	[sflag:s10] =	ssyncset.done $0x0  }
0x7b: {  	[sflag:s10] =	ssyncadd.s32 $0xFFFFC000  }
0x7c: {  	_ =	swait.ge [sflag:s8], $0x800  }
0x7d: {  	s0 =	sadd.s32 $0xFFFFFFFF, s0;
	s1 =	rddreg [dreg:$0x5];
	[sflag:s8] =	ssyncset.done $0x0  }
.LBB2_3:
0x7e: {  	[sflag:s8] =	ssyncadd.s32 @p0 $0xFFFFF800  }
0x7f: {  	[tilespmem:s2], [sflag:$0xB] =	stream.linear.gather [hbm4b:s1+s2], $0x20, $0x38;
	[tilespmem:$0x14200] =	vst v63  }
0x80: {  	_ =	swait.ge [sflag:s24], $0x20  }
0x81: {  	[sflag:s24] =	ssyncset.done $0x0  }
0x82: {  	s0 =	rddreg [dreg:$0x6];
	[sflag:s24] =	ssyncadd.s32 $0xFFFFFFE0  }
0x83: {  	[tilespmem:s22], [sflag:$0xB] =	stream.linear.gather [hbm4b:s0+s2], $0x190, $0x38;
	[tilespmem:$0x14200] =	vst v63  }
0x84: {  	_ =	swait.ge [sflag:s24], $0x190  }
0x85: {  	[sflag:s24] =	ssyncset.done $0x0  }
0x86: {  	[sflag:s24] =	ssyncadd.s32 $0xFFFFFE70  }
0x87: {  	[tilespmem:s18], [sflag:$0x1] =	stream.indirect.gather [hbm4b:s3+s22], $0x80, s2, s22, $0xb8;
	[tilespmem:$0x14200] =	vst v63  }
0x88: {  	_ = 	snop  }
0x89: {  	[tilespmem:s16], [sflag:$0x2] =	stream.indirect.gather [hbm4b:s3+s23], $0x80, s22, s23, $0xb8;
	[tilespmem:$0x14200] =	vst v63  }
0x8a: {  	_ = 	snop  }
0x8b: {  	[tilespmem:s14], [sflag:$0x3] =	stream.indirect.gather [hbm4b:s3+s23], $0x80, s28, s23, $0xb8;
	[tilespmem:$0x14200] =	vst v63  }
0x8c: {  	_ = 	snop  }
0x8d: {  	[tilespmem:s11], [sflag:$0x4] =	stream.indirect.gather [hbm4b:s3+s23], $0x80, s31, s23, $0xb8;
	[tilespmem:$0x14200] =	vst v63  }
0x8e: {  	_ =	swait.ge [sflag:s29], $0x1000  }
0x8f: {  	[sflag:s29] =	ssyncset.done $0x0  }
0x90: {  	[sflag:s29] =	ssyncadd.s32 $0xFFFFF000  }
0x91: {  	[hbm4b:s9+s2] =	stream.linear.scatter [tilespmem:s18], [sflag:$0x6], $0x1000, $0x38;
	[tilespmem:$0x14200] =	vst v63  }
0x92: {  	_ = 	snop  }
0x93: {  	[tilespmem:s12], [sflag:$0x5] =	stream.indirect.gather [hbm4b:s3+s25], $0x80, s30, s25, $0xb8;
	[tilespmem:$0x14200] =	vst v63  }
0x94: {  	_ =	swait.ge [sflag:s26], $0x4000  }
0x95: {  	[sflag:s26] =	ssyncset.done $0x0  }
0x96: {  	[sflag:s26] =	ssyncadd.s32 $0xFFFFC000  }
0x97: {  	[hbm4b:s7+s2] =	stream.linear.scatter [tilespmem:s16], [sflag:$0x7], $0x4000, $0x38;
	[tilespmem:$0x14200] =	vst v63  }
0x98: {  	_ =	swait.ge [sflag:s21], $0x4000  }
0x99: {  	[sflag:s21] =	ssyncset.done $0x0  }
0x9a: {  	[sflag:s21] =	ssyncadd.s32 $0xFFFFC000  }
0x9b: {  	[hbm4b:s6+s2] =	stream.linear.scatter [tilespmem:s14], [sflag:$0x8], $0x4000, $0x38;
	[tilespmem:$0x14200] =	vst v63  }
0x9c: {  	_ =	swait.ge [sflag:s19], $0x4000  }
0x9d: {  	[sflag:s19] =	ssyncset.done $0x0  }
0x9e: {  	[sflag:s19] =	ssyncadd.s32 $0xFFFFC000  }
0x9f: {  	[hbm4b:s5+s2] =	stream.linear.scatter [tilespmem:s11], [sflag:$0x9], $0x4000, $0x38;
	[tilespmem:$0x14200] =	vst v63  }
0xa0: {  	_ =	swait.ge [sflag:s20], $0x800  }
0xa1: {  	[sflag:s20] =	ssyncset.done $0x0  }
0xa2: {  	[sflag:s20] =	ssyncadd.s32 $0xFFFFF800  }
0xa3: {  	[hbm4b:s4+s2] =	stream.linear.scatter [tilespmem:s12], [sflag:$0xA], $0x800, $0x38;
	[tilespmem:$0x14200] =	vst v63  }
0xa4: {  	_ =	swait.ge [sflag:s17], $0x1000  }
0xa5: {  	[sflag:s17] =	ssyncset.done $0x0  }
0xa6: {  	[sflag:s17] =	ssyncadd.s32 $0xFFFFF000  }
0xa7: {  	_ =	swait.ge [sflag:s15], $0x4000  }
0xa8: {  	[sflag:s15] =	ssyncset.done $0x0  }
0xa9: {  	[sflag:s15] =	ssyncadd.s32 $0xFFFFC000  }
0xaa: {  	_ =	swait.ge [sflag:s13], $0x4000  }
0xab: {  	[sflag:s13] =	ssyncset.done $0x0  }
0xac: {  	[sflag:s13] =	ssyncadd.s32 $0xFFFFC000  }
0xad: {  	_ =	swait.ge [sflag:s10], $0x4000  }
0xae: {  	[sflag:s10] =	ssyncset.done $0x0  }
0xaf: {  	[sflag:s10] =	ssyncadd.s32 $0xFFFFC000  }
0xb0: {  	_ =	swait.ge [sflag:s8], $0x800  }
0xb1: {  	[sflag:s8] =	ssyncset.done $0x0  }
0xb2: {  	[sflag:s8] =	ssyncadd.s32 $0xFFFFF800  }
0xb3: {  	_ =	sfence.sel $0x180000  }
0xb4: {  	[bflag:$0x0] =	sbarrier.arrive $0xFFFF  }
0xb5: {  	_ =	strace $0x90000047  }
0xb6: {  	s31 =	stileid.u32;
	[bflag:$0x2] =	sbarrier.arrive $0xFFFF  }
0xb7: {  	p0 =	sne.s32 s31, $0x0;
	s0 =	rddreg [dreg:$0x4]  }
0xb8: {  	s0 =	sadd.s32 @!p0 $0x100000, s0  }
0xb9: {  	[sflag:s0] =	ssyncadd.tile.s32 @!p0 $0x1;
	_ =	shalt  }
.Lfunc_end2:
_tile_overlayer_lowered:
.L_overlay_start_2:
0xba: {  	(tag) =	ssettag $0x2  }
0xbb: {  	s0 =	rddreg [dreg:$0x0];
	s2 =	stileid.u32  }
0xbc: {  	s1 =	rddreg [dreg:$0x1];
	p0 =	sne.s32 s2, $0x0  }
0xbd: {  	s3 =	rddreg [dreg:$0x2];
	[bflag:$0x3] =	sbarrier.arrive $0xFFFF;
	s2 =	simm.s32 @!p0 $0x1C0B  }
0xbe: {  	[timem:s3], [sflag:s2] =	dma.local @!p0 [hbm:s0], s1  }
0xbf: {  	s0 =	simm.s32 @!p0 $0xB  }
0xc0: {  	_ =	swait.ge @!p0 [sflag:s0], s1  }
0xc1: {  	s1 =	ssub.s32 @!p0 $0x0, s1;
	[sflag:s0] =	ssyncset.done @!p0 $0x0  }
0xc2: {  	[sflag:s0] =	ssyncadd.s32 @!p0 s1  }
0xc3: {  	[bflag:$0x3] =	sbarrier.arrive $0xFFFF  }
0xc4: {  	_ =	shalt  }

// kernel: kernel.9.cloned.1.call-start
scs
__scs_entry_jumppad:
0x0: {  	(pc) =	sbr.rel $0x88, $3  }
0x1: {  	(tag) =	ssettag $0x0;
	lr =	simm.s32 $0x1  }
0x2: {  	[smem:$0x3F8E] =	sst lr;
	_ =	strace $0xD0000000  }
0x3: {  	_ = 	snop  }
0x4: {  	_ = 	snop  }
0x5: {  	_ = 	snop  }
0x6: {  	_ = 	snop  }
0x7: {  	_ = 	snop  }
__scs_overlays_trampoline_lowered:
0x8: {  	[smem:$0x3F9D] =	sst s0  }
0x9: {  	[smem:$0x3F9E] =	sst s1  }
0xa: {  	[smem:$0x3F9F] =	sst s2  }
0xb: {  	[smem:$0x3FA0] =	sst s3  }
0xc: {  	[smem:$0x3FA1] =	sst s4  }
0xd: {  	[smem:$0x3FA2] =	sst s5  }
0xe: {  	[smem:$0x3FA3] =	sst s6  }
0xf: {  	[smem:$0x3FA4] =	sst s7  }
0x10: {  	[smem:$0x3FA5] =	sst s8  }
0x11: {  	[smem:$0x3FA6] =	sst s9;
	s0 =	simm.s32 @!p0 $0x0  }
0x12: {  	s1 =	sld [smem:$0x3F8C];
	s0 =	simm.s32 @p0 $0x1  }
0x13: {  	[smem:$0x3FA7] =	sst s0;
	s0 =	simm.s32 @!p1 $0x0  }
0x14: {  	s2 =	sld [smem:$0x3F8B];
	s0 =	simm.s32 @p1 $0x1  }
0x15: {  	[smem:$0x3FA8] =	sst s0;
	s0 =	simm.s32 @!p2 $0x0  }
0x16: {  	s3 =	sld [smem:$0x3FDB];
	s0 =	simm.s32 @p2 $0x1  }
0x17: {  	s4 =	simm.s32 $0x1BF5;
	[smem:$0x3FAA] =	sst s0  }
0x18: {  	s0 =	sld [smem:$0x3F8D];
	_ =	swait.ge [sflag:s4], $0x0  }
0x19: {  	s7 =	sld [smem:$0x3F8E]  }
0x1a: {  	s8 =	sadd.s32 $0xFFFFE003, lr  }
0x1b: {  	s9 =	sadd.s32 $0xFFFFFEF7, lr;
	s5 =	simm.s32 $0xFFFFFFFF;
	p2 =	slt.u32 s8, $0xFFFFF086  }
0x1c: {  	p1 =	slt.u32 s9, $0xF7A;
	s5 =	simm.s32 @!p2 $0x0  }
0x1d: {  	s5 =	simm.s32 @p1 $0x1;
	p0 =	seq.s32 s7, s2  }
0x1e: {  	s7 =	smul.u32 @!p0 $0xF7A, s2;
	p2 =	seq.s32 @!p0 s5, $0x0  }
0x1f: {  	s9 =	smul.u32 $0xF7A, s1;
	s8 =	simm.s32 @!p0 $0x1BF5;
	p2 =	por !p2, p0  }
0x20: {  	[sflag:s8] =	ssyncset.s32 @!p0 $0xFFFFF086;
	s6 =	sadd.s32 @!p0 s3, s7;
	s7 =	simm.s32 @!p0 $0x108  }
0x21: {  	s3 =	sadd.s32 s3, s9;
	s6 =	sadd.s32 @!p0 $0x88, s6;
	s7 =	simm.s32 @p2 $0x1082  }
0x22: {  	[simem:s7], [sflag:s8] =	dma.local @!p0 [hbm:s6], $0xF7A  }
0x23: {  	s9 =	sor.u32 $0xD0000000, s2;
	s6 =	simm.s32 $0x108;
	_ =	swait.ge @!p0 [sflag:s8], $0x0  }
0x24: {  	s3 =	sadd.s32 $0x88, s3;
	s6 =	simm.s32 @!p1 $0x1082;
	[sflag:s4] =	ssyncset.s32 $0xFFFFF086  }
0x25: {  	[simem:s6], [sflag:s4] =	dma.local [hbm:s3], $0xF7A  }
0x26: {  	[smem:$0x3F8E] =	sst s1;
	(tag) =	ssettag s2;
	_ =	strace s9  }
0x27: {  	s1 =	sld [smem:$0x3F9E]  }
0x28: {  	s2 =	sld [smem:$0x3F9F]  }
0x29: {  	s4 =	sld [smem:$0x3FA1]  }
0x2a: {  	p0 =	seq.s32 s5, $0x0;
	s5 =	sld [smem:$0x3FA2]  }
0x2b: {  	s6 =	sld [smem:$0x3FA3]  }
0x2c: {  	s7 =	sld [smem:$0x3FA4]  }
0x2d: {  	s3 =	simm.s32 $0x108;
	s8 =	sld [smem:$0x3FA5]  }
0x2e: {  	s3 =	simm.s32 @!p0 $0x1082;
	s9 =	sld [smem:$0x3FA6]  }
0x2f: {  	lr =	sadd.s32 s0, s3;
	s0 =	sld [smem:$0x3F9D]  }
0x30: {  	s3 =	sld [smem:$0x3FA0]  }
0x31: {  	[smem:$0x3FA9] =	sst s10  }
0x32: {  	s10 =	sld [smem:$0x3FA7];
	_ =	sdelay $0x3  }
0x33: {  	p0 =	seq.s32 s10, $0x1;
	s10 =	sld [smem:$0x3FA9];
	_ =	sdelay $0x3  }
0x34: {  	[smem:$0x3FA9] =	sst s10  }
0x35: {  	s10 =	sld [smem:$0x3FA8];
	_ =	sdelay $0x3  }
0x36: {  	p1 =	seq.s32 s10, $0x1;
	s10 =	sld [smem:$0x3FA9];
	_ =	sdelay $0x3  }
0x37: {  	[smem:$0x3FA9] =	sst s10  }
0x38: {  	s10 =	sld [smem:$0x3FAA]  }
0x39: {  	_ = 	snop;
	(pc) =	sbr.ind lr, $3  }
0x3a: {  	_ = 	snop  }
0x3b: {  	_ = 	snop  }
0x3c: {  	p2 =	seq.s32 s10, $0x1;
	s10 =	sld [smem:$0x3FA9]  }
0x3d: {  	_ =	shalt  }
0x3e: {  	_ =	shalt  }
0x3f: {  	_ =	shalt  }
0x40: {  	_ =	shalt  }
0x41: {  	_ =	shalt  }
0x42: {  	_ =	shalt  }
0x43: {  	_ =	shalt  }
0x44: {  	_ =	shalt  }
0x45: {  	_ =	shalt  }
0x46: {  	_ =	shalt  }
0x47: {  	_ =	shalt  }
0x48: {  	_ =	shalt  }
0x49: {  	_ =	shalt  }
0x4a: {  	_ =	shalt  }
0x4b: {  	_ =	shalt  }
0x4c: {  	_ =	shalt  }
0x4d: {  	_ =	shalt  }
0x4e: {  	_ =	shalt  }
0x4f: {  	_ =	shalt  }
0x50: {  	_ =	shalt  }
0x51: {  	_ =	shalt  }
0x52: {  	_ =	shalt  }
0x53: {  	_ =	shalt  }
0x54: {  	_ =	shalt  }
0x55: {  	_ =	shalt  }
0x56: {  	_ =	shalt  }
0x57: {  	_ =	shalt  }
0x58: {  	_ =	shalt  }
0x59: {  	_ =	shalt  }
0x5a: {  	_ =	shalt  }
0x5b: {  	_ =	shalt  }
0x5c: {  	_ =	shalt  }
0x5d: {  	_ =	shalt  }
0x5e: {  	_ =	shalt  }
0x5f: {  	_ =	shalt  }
0x60: {  	_ =	shalt  }
0x61: {  	_ =	shalt  }
0x62: {  	_ =	shalt  }
0x63: {  	_ =	shalt  }
0x64: {  	_ =	shalt  }
0x65: {  	_ =	shalt  }
0x66: {  	_ =	shalt  }
0x67: {  	_ =	shalt  }
0x68: {  	_ =	shalt  }
0x69: {  	_ =	shalt  }
0x6a: {  	_ =	shalt  }
0x6b: {  	_ =	shalt  }
0x6c: {  	_ =	shalt  }
0x6d: {  	_ =	shalt  }
0x6e: {  	_ =	shalt  }
0x6f: {  	_ =	shalt  }
0x70: {  	_ =	shalt  }
0x71: {  	_ =	shalt  }
0x72: {  	_ =	shalt  }
0x73: {  	_ =	shalt  }
0x74: {  	_ =	shalt  }
0x75: {  	_ =	shalt  }
0x76: {  	_ =	shalt  }
0x77: {  	_ =	shalt  }
0x78: {  	_ =	shalt  }
0x79: {  	_ =	shalt  }
0x7a: {  	_ =	shalt  }
0x7b: {  	_ =	shalt  }
0x7c: {  	_ =	shalt  }
0x7d: {  	_ =	shalt  }
0x7e: {  	_ =	shalt  }
0x7f: {  	_ =	shalt  }
0x80: {  	_ =	shalt  }
0x81: {  	_ =	shalt  }
0x82: {  	_ =	shalt  }
0x83: {  	_ =	shalt  }
0x84: {  	_ =	shalt  }
0x85: {  	_ =	shalt  }
0x86: {  	_ =	shalt  }
0x87: {  	_ =	shalt  }
.Lfunc_end0:
.L_simem_size_0:
called_computation.1_lowered:
.L_overlay_start_0:
0x88: {  	s2 =	sld [smem:$0x3FD9]  }
0x89: {  	s3 =	sld [smem:$0x3FFE];
	_ =	sdelay $0x1  }
0x8a: {  	s1 =	srdreg.scid  }
0x8b: {  	s0 =	sand.u32 $0x1, s1  }
0x8c: {  	s15 =	sshll.u32 s0, $0xA;
	s2 =	sadd.s32 s3, s2  }
0x8d: {  	s2 =	sadd.s32 s2, s15  }
0x8e: {  	[smem:$0x3FB5] =	sst s2  }
0x8f: {  	_ = 	snop  }
0x90: {  	s16 =	sld [smem:$0x3FD0];
	_ =	sdelay $0x2  }
0x91: {  	s4 =	simm.s32 $0xB;
	s5 =	simm.s32 $0x10;
	s2 =	sld [smem:$0x3FC1]  }
0x92: {  	[smem:s5], [sflag:s4] =	dma.local [hbm:s16], $0x1  }
0x93: {  	_ =	swait.eq [sflag:s4], $0x1  }
0x94: {  	[sflag:s4] =	ssyncset.done $0x0  }
0x95: {  	[sflag:s4] =	ssyncadd.s32 $0xFFFFFFFF  }
0x96: {  	s17 =	sld [smem:$0x11];
	(tm) =	ssettm $0x1  }
0x97: {  	s18 =	sld [smem:$0x3FFB];
	_ =	sdelay $0x3  }
0x98: {  	_ =	strace s18  }
0x99: {  	s3 =	sld [smem:$0x3FFC];
	_ =	sdelay $0x3  }
0x9a: {  	_ =	strace s3  }
0x9b: {  	s3 =	sld [smem:$0x3FFD];
	_ =	sdelay $0x3  }
0x9c: {  	_ =	strace s3  }
0x9d: {  	_ =	strace $0x8FFFFFFF  }
0x9e: {  	s19 =	sld [smem:$0x3FDB];
	_ =	sdelay $0x1  }
0x9f: {  	s20 =	simm.s32 $_scs_section_size  }
0xa0: {  	s6 =	simm.s32 $_size__tile_overlayer_lowered;
	s7 =	simm.s32 $_tile_overlayer_lowered  }
0xa1: {  	s8 =	simm.s32 $0x1BFF;
	s21 =	sshll.u32 s7, $0x1;
	s5 =	sadd.s32 s20, s19  }
0xa2: {  	s22 =	simm.s32 $0x0;
	s6 =	sshll.u32 s6, $0x1;
	s7 =	sadd.s32 s21, s5  }
0xa3: {  	[timem:s22], [sflag:s8] =	dma.local [hbm:s7], s6  }
0xa4: {  	_ =	swait.ge [sflag:s8], s6  }
0xa5: {  	s6 =	ssub.s32 $0x0, s6;
	[sflag:s8] =	ssyncset.done $0x0  }
0xa6: {  	[sflag:s8] =	ssyncadd.s32 s6;
	_ =	sdelay $0x1  }
0xa7: {  	s23 =	simm.s32 $0x1B8B  }
0xa8: {  	_ =	swait.ge [sflag:s23], $0x1  }
0xa9: {  	[sflag:s23] =	ssyncset.done $0x0  }
0xaa: {  	[sflag:s23] =	ssyncadd.s32 $0xFFFFFFFF  }
0xab: {  	s6 =	sld [smem:$0x0]  }
0xac: {  	s7 =	sand.u32 $0xFFFFFFFE, s1  }
0xad: {  	p0 =	sne.s32 s1, s7  }
0xae: {  	s7 =	sshll.u32 @p0 s7, $0xE  }
0xaf: {  	s7 =	sadd.s32 @p0 $0x11B8D, s7;
	s8 =	sshll.u32 @p0 s6, $0x11  }
0xb0: {  	s7 =	sor.u32 @p0 s8, s7  }
0xb1: {  	[sflag:s7] =	ssyncadd.remote.s32 @p0 $0x1;
	_ =	sdelay $0x1  }
0xb2: {  	s7 =	simm.s32 @p0 $0x1B8D  }
0xb3: {  	_ =	swait.eq @p0 [sflag:s7], $0x1  }
0xb4: {  	[sflag:s7] =	ssyncadd.s32 @p0 $0xFFFFFFFF  }
0xb5: {  	s8 =	sshll.u32 @!p0 s1, $0xE  }
0xb6: {  	s8 =	sor.u32 @!p0 $0x4000, s8;
	s7 =	simm.s32 @!p0 $0x1B8D  }
0xb7: {  	s6 =	sshll.u32 @!p0 s6, $0x11;
	s8 =	sadd.s32 @!p0 $0x11B8D, s8;
	_ =	swait.eq @!p0 [sflag:s7], $0x1  }
0xb8: {  	s6 =	sor.u32 @!p0 s6, s8;
	[sflag:s7] =	ssyncadd.s32 @!p0 $0xFFFFFFFF  }
0xb9: {  	s25 =	simm.s32 $0x1B8E;
	s24 =	sld [smem:$0x3FFE];
	[sflag:s6] =	ssyncadd.remote.s32 @!p0 $0x1  }
0xba: {  	s26 =	simm.s32 $execute0_lowered;
	[smem:$0x3FD2] =	sst s25  }
0xbb: {  	s7 =	sshll.u32 s26, $0x1;
	_ =	strace $0x80000049;
	[dreg:$0x1] =	wrdreg $0xFFFFFFFF  }
0xbc: {  	s28 =	simm.s32 $_size_execute0_lowered;
	s5 =	sadd.s32 s5, s7;
	[dreg:$0x0] =	wrdreg $0x0  }
0xbd: {  	s7 =	sshll.u32 s28, $0x1;
	[dreg:$0x2] =	wrdreg s5  }
0xbe: {  	[dreg:$0x3] =	wrdreg s7  }
0xbf: {  	[dreg:$0x4] =	wrdreg $0xC0  }
0xc0: {  	_ =	task [dreg:s22], $0x5FFFF  }
0xc1: {  	[dreg:$0x1] =	wrdreg $0xFFFFFFFF  }
0xc2: {  	[dreg:$0x0] =	wrdreg $0x60  }
0xc3: {  	[dreg:$0x2] =	wrdreg s2  }
0xc4: {  	[dreg:$0x3] =	wrdreg s17  }
0xc5: {  	[dreg:$0x4] =	wrdreg s24  }
0xc6: {  	[dreg:$0x5] =	wrdreg $0xA  }
0xc7: {  	_ =	task.clear_ibuf [dreg:s22], $0x6FFFF;
	_ =	strace $0x90000049  }
0xc8: {  	s29 =	simm.s32 $0xA;
	_ =	strace $0x8000004B  }
0xc9: {  	_ =	swait.ge [sflag:s29], $0x1  }
0xca: {  	[sflag:s29] =	ssyncadd.s32 $0xFFFFFFFF  }
0xcb: {  	_ =	strace $0x9000004B  }
0xcc: {  	_ =	sfence  }
0xcd: {  	s30 =	sld [smem:$0x0];
	_ =	sdelay $0x2  }
0xce: {  	s31 =	sshll.u32 s1, $0xD;
	s1 =	sshrl.u32 s1, $0x2  }
0xcf: {  	s4 =	sand.u32 $0x4000, s31;
	s1 =	sadd.s32 s1, s30  }
0xd0: {  	s0 =	sor.u32 s4, s0;
	s1 =	sshll.u32 s1, $0x11  }
0xd1: {  	s0 =	sor.u32 s1, s0  }
0xd2: {  	s0 =	sadd.s32 $0x8F2B, s0  }
0xd3: {  	[sflag:s0] =	ssyncadd.remote.s32 $0x1  }
0xd4: {  	_ =	sfence.sel $0xFFFF  }
0xd5: {  	[dreg:$0x0] =	wrdreg $0xFFFFFFFF;
	(pc) =	sbr.abs _section_cstart, $3  }
0xd6: {  	[dreg:$0x1] =	wrdreg $0xFFFFFFFF  }
0xd7: {  	_ =	task.clear_ibuf [dreg:s22], $0x2FFFF;
	_ =	strace $0x9FFFFFFF  }
0xd8: {  	(tm) =	ssettm $0x7FFFFFFF  }
0xd9: {  	_ =	shalt  }
tec
execute0_lowered:
.L_overlay_start_1:
0x0: {  	(tag) =	ssettag $0x1  }
0x1: {  	s3 =	rddreg [dreg:$0x0]  }
0x2: {  	s0 =	srdreg.scid;
	s4 =	rddreg [dreg:$0x1]  }
0x3: {  	s1 =	stileid.u32;
	s5 =	rddreg [dreg:$0x2];
	s2 =	simm.s32 $0x0  }
0x4: {  	s29 =	simm.s32 $0xB;
	s13 =	simm.s32 $0x4500;
	s30 =	simm.s32 $0x100  }
0x5: {  	s12 =	simm.s32 $0x8500;
	s31 =	simm.s32 $0x180;
	s9 =	simm.s32 $0xC500  }
0x6: {  	s28 =	simm.s32 $0x200;
	s8 =	simm.s32 $0x10500;
	s15 =	simm.s32 $0x3  }
0x7: {  	s14 =	simm.s32 $0x4;
	s0 =	sand.u32 $0x1, s0;
	s1 =	sshll.u32 s1, $0x1  }
0x8: {  	p0 =	por $0x0, $0x0;
	s11 =	simm.s32 $0x9;
	s1 =	sor.u32 s0, s1  }
0x9: {  	s10 =	simm.s32 $0xA;
	[smem:$0x7FF] =	sst s2;
	s6 =	smul.u32 $0x4B0, s1  }
0xa: {  	s5 =	sadd.s32 $0x3000, s5;
	s0 =	ssub.s32 $0x2, s0;
	s7 =	smul.u32 $0x25800, s1  }
0xb: {  	_ =	strace $0x8000004A;
	s1 =	smul.u32 $0x4B00, s1;
	s24 =	sshrl.u32 s0, $0x1  }
0xc: {  	s0 =	ssub.s32 s0, s24;
	s24 =	simm.s32 $0x380;
	s6 =	sshrl.u32 s6, $0x3  }
0xd: {  	s16 =	sshrl.u32 s7, $0x3;
	s1 =	sadd.s32 s5, s1;
	s4 =	sadd.s32 s4, s6  }
0xe: {  	s17 =	sadd.s32 s5, s16;
	[dreg:$0x5] =	wrdreg s1;
	s4 =	sadd.s32 $0x640, s4  }
0xf: {  	s0 =	smax.u32 s0, $0x1;
	s18 =	sadd.s32 $0x800, s17;
	[dreg:$0x4] =	wrdreg s4  }
0x10: {  	s7 =	simm.s32 $0x8;
	s19 =	sadd.s32 $0x1000, s17;
	[dreg:$0x6] =	wrdreg s18  }
0x11: {  	s5 =	simm.s32 $0x6;
	s20 =	sadd.s32 $0x1800, s17;
	[dreg:$0x7] =	wrdreg s19  }
0x12: {  	s6 =	simm.s32 $0x7;
	s21 =	sadd.s32 $0x2000, s17;
	[dreg:$0x8] =	wrdreg s20  }
0x13: {  	p1 =	sne.s32 s0, $0x1;
	s22 =	sadd.s32 $0x2800, s17;
	[dreg:$0x9] =	wrdreg s21  }
0x14: {  	s1 =	sadd.s32 $0xFFFFFFFF, s0;
	s23 =	sadd.s32 $0x3000, s17;
	[dreg:$0xa] =	wrdreg s22  }
0x15: {  	s16 =	simm.s32 $0x5;
	s25 =	sadd.s32 $0x3800, s17;
	[dreg:$0xb] =	wrdreg s23  }
.Ltmp0:
0x16: {  	s26 =	sadd.s32 $0x4000, s17;
	[dreg:$0xc] =	wrdreg s25;
	(pc) =	sbr.rel @!p1 .LBB2_3-.Ltmp0, $4  }
0x17: {  	[dreg:$0xd] =	wrdreg s26;
	s4 =	sadd.s32 $0x4800, s17;
	s19 =	simm.s32 $0x80  }
0x18: {  	s17 =	simm.s32 $0x500;
	s20 =	simm.s32 $0x1;
	s18 =	simm.s32 $0x2  }
0x19: {  	s26 =	simm.s32 $0x280;
	s25 =	simm.s32 $0x300;
	s23 =	simm.s32 $0x400  }
0x1a: {  	s21 =	simm.s32 $0x30;
	s22 =	simm.s32 $0x480;
	s0 =	rddreg [dreg:$0x4]  }
0x1b: {  	[tilespmem:s2], [sflag:$0xB] =	stream.linear.gather [hbm4b:s0+s2], $0x4B0, $0x38;
	[tilespmem:$0x14500] =	vst v63  }
0x1c: {  	_ =	swait.ge [sflag:s29], $0x4B0  }
0x1d: {  	[sflag:s29] =	ssyncset.done $0x0  }
0x1e: {  	[sflag:s29] =	ssyncadd.s32 $0xFFFFFB50  }
0x1f: {  	[tilespmem:s17], [sflag:$0x1] =	stream.indirect.gather [hbm4b:s3+s19], $0x80, s2, s19, $0xb8;
	[tilespmem:$0x14500] =	vst v63  }
0x20: {  	_ = 	snop  }
0x21: {  	[tilespmem:s13], [sflag:$0x2] =	stream.indirect.gather [hbm4b:s3+s19], $0x80, s19, s19, $0xb8;
	[tilespmem:$0x14500] =	vst v63  }
0x22: {  	_ = 	snop  }
0x23: {  	[tilespmem:s12], [sflag:$0x3] =	stream.indirect.gather [hbm4b:s3+s19], $0x80, s30, s19, $0xb8;
	[tilespmem:$0x14500] =	vst v63  }
0x24: {  	_ = 	snop  }
0x25: {  	[tilespmem:s9], [sflag:$0x4] =	stream.indirect.gather [hbm4b:s3+s19], $0x80, s31, s19, $0xb8;
	[tilespmem:$0x14500] =	vst v63  }
0x26: {  	_ =	swait.ge [sflag:s20], $0x4000  }
0x27: {  	[sflag:s20] =	ssyncset.done $0x0  }
0x28: {  	s0 =	rddreg [dreg:$0x5];
	[sflag:s20] =	ssyncadd.s32 $0xFFFFC000  }
0x29: {  	[hbm4b:s0+s2] =	stream.linear.scatter [tilespmem:s17], [sflag:$0x6], $0x4000, $0x38;
	[tilespmem:$0x14500] =	vst v63  }
0x2a: {  	_ = 	snop  }
0x2b: {  	[tilespmem:s8], [sflag:$0x5] =	stream.indirect.gather [hbm4b:s3+s19], $0x80, s28, s19, $0xb8;
	[tilespmem:$0x14500] =	vst v63  }
0x2c: {  	_ =	swait.ge [sflag:s18], $0x4000  }
0x2d: {  	[sflag:s18] =	ssyncset.done $0x0  }
0x2e: {  	s0 =	rddreg [dreg:$0x6];
	[sflag:s18] =	ssyncadd.s32 $0xFFFFC000  }
0x2f: {  	[hbm4b:s0+s2] =	stream.linear.scatter [tilespmem:s13], [sflag:$0x7], $0x4000, $0x38;
	[tilespmem:$0x14500] =	vst v63  }
0x30: {  	_ =	swait.ge [sflag:s5], $0x4000  }
0x31: {  	[sflag:s5] =	ssyncset.done $0x0  }
0x32: {  	[sflag:s5] =	ssyncadd.s32 $0xFFFFC000  }
0x33: {  	[tilespmem:s17], [sflag:$0x1] =	stream.indirect.gather [hbm4b:s3+s19], $0x80, s26, s19, $0xb8;
	[tilespmem:$0x14500] =	vst v63  }
0x34: {  	_ =	swait.ge [sflag:s15], $0x4000  }
0x35: {  	[sflag:s15] =	ssyncset.done $0x0  }
0x36: {  	s0 =	rddreg [dreg:$0x7];
	[sflag:s15] =	ssyncadd.s32 $0xFFFFC000  }
0x37: {  	[hbm4b:s0+s2] =	stream.linear.scatter [tilespmem:s12], [sflag:$0x8], $0x4000, $0x38;
	[tilespmem:$0x14500] =	vst v63  }
0x38: {  	_ =	swait.ge [sflag:s6], $0x4000  }
0x39: {  	[sflag:s6] =	ssyncset.done $0x0  }
0x3a: {  	[sflag:s6] =	ssyncadd.s32 $0xFFFFC000  }
0x3b: {  	[tilespmem:s13], [sflag:$0x2] =	stream.indirect.gather [hbm4b:s3+s19], $0x80, s25, s19, $0xb8;
	[tilespmem:$0x14500] =	vst v63  }
0x3c: {  	_ =	swait.ge [sflag:s14], $0x4000  }
0x3d: {  	[sflag:s14] =	ssyncset.done $0x0  }
0x3e: {  	s0 =	rddreg [dreg:$0x8];
	[sflag:s14] =	ssyncadd.s32 $0xFFFFC000  }
0x3f: {  	[hbm4b:s0+s2] =	stream.linear.scatter [tilespmem:s9], [sflag:$0x9], $0x4000, $0x38;
	[tilespmem:$0x14500] =	vst v63  }
0x40: {  	_ =	swait.ge [sflag:s7], $0x4000  }
0x41: {  	[sflag:s7] =	ssyncset.done $0x0  }
0x42: {  	[sflag:s7] =	ssyncadd.s32 $0xFFFFC000  }
0x43: {  	[tilespmem:s12], [sflag:$0x3] =	stream.indirect.gather [hbm4b:s3+s19], $0x80, s24, s19, $0xb8;
	[tilespmem:$0x14500] =	vst v63  }
0x44: {  	_ =	swait.ge [sflag:s16], $0x4000  }
0x45: {  	[sflag:s16] =	ssyncset.done $0x0  }
0x46: {  	s0 =	rddreg [dreg:$0x9];
	[sflag:s16] =	ssyncadd.s32 $0xFFFFC000  }
0x47: {  	[hbm4b:s0+s2] =	stream.linear.scatter [tilespmem:s8], [sflag:$0xA], $0x4000, $0x38;
	[tilespmem:$0x14500] =	vst v63  }
0x48: {  	_ =	swait.ge [sflag:s11], $0x4000  }
0x49: {  	[sflag:s11] =	ssyncset.done $0x0  }
0x4a: {  	[sflag:s11] =	ssyncadd.s32 $0xFFFFC000  }
0x4b: {  	[tilespmem:s9], [sflag:$0x4] =	stream.indirect.gather [hbm4b:s3+s19], $0x80, s23, s19, $0xb8;
	[tilespmem:$0x14500] =	vst v63  }
0x4c: {  	_ =	swait.ge [sflag:s20], $0x4000  }
0x4d: {  	[sflag:s20] =	ssyncset.done $0x0  }
0x4e: {  	s0 =	rddreg [dreg:$0xa];
	[sflag:s20] =	ssyncadd.s32 $0xFFFFC000  }
0x4f: {  	[hbm4b:s0+s2] =	stream.linear.scatter [tilespmem:s17], [sflag:$0x6], $0x4000, $0x38;
	[tilespmem:$0x14500] =	vst v63  }
0x50: {  	_ =	swait.ge [sflag:s10], $0x4000  }
0x51: {  	[sflag:s10] =	ssyncset.done $0x0  }
0x52: {  	[sflag:s10] =	ssyncadd.s32 $0xFFFFC000  }
0x53: {  	[tilespmem:s8], [sflag:$0x5] =	stream.indirect.gather [hbm4b:s3+s21], $0x80, s22, s21, $0xb8;
	[tilespmem:$0x14500] =	vst v63  }
0x54: {  	_ =	swait.ge [sflag:s18], $0x4000  }
0x55: {  	[sflag:s18] =	ssyncset.done $0x0  }
0x56: {  	s0 =	rddreg [dreg:$0xb];
	[sflag:s18] =	ssyncadd.s32 $0xFFFFC000  }
0x57: {  	[hbm4b:s0+s2] =	stream.linear.scatter [tilespmem:s13], [sflag:$0x7], $0x4000, $0x38;
	[tilespmem:$0x14500] =	vst v63  }
0x58: {  	_ =	swait.ge [sflag:s15], $0x4000  }
0x59: {  	[sflag:s15] =	ssyncset.done $0x0  }
0x5a: {  	s0 =	rddreg [dreg:$0xc];
	[sflag:s15] =	ssyncadd.s32 $0xFFFFC000  }
0x5b: {  	[hbm4b:s0+s2] =	stream.linear.scatter [tilespmem:s12], [sflag:$0x8], $0x4000, $0x38;
	[tilespmem:$0x14500] =	vst v63  }
0x5c: {  	_ =	swait.ge [sflag:s14], $0x4000  }
0x5d: {  	[sflag:s14] =	ssyncset.done $0x0  }
0x5e: {  	s0 =	rddreg [dreg:$0xd];
	[sflag:s14] =	ssyncadd.s32 $0xFFFFC000  }
0x5f: {  	[hbm4b:s0+s2] =	stream.linear.scatter [tilespmem:s9], [sflag:$0x9], $0x4000, $0x38;
	[tilespmem:$0x14500] =	vst v63  }
0x60: {  	_ =	swait.ge [sflag:s16], $0x1800  }
0x61: {  	[sflag:s16] =	ssyncset.done $0x0  }
0x62: {  	[sflag:s16] =	ssyncadd.s32 $0xFFFFE800  }
0x63: {  	[hbm4b:s4+s2] =	stream.linear.scatter [tilespmem:s8], [sflag:$0xA], $0x1800, $0x38;
	[tilespmem:$0x14500] =	vst v63  }
0x64: {  	_ =	swait.ge [sflag:s5], $0x4000  }
0x65: {  	[sflag:s5] =	ssyncset.done $0x0  }
0x66: {  	[sflag:s5] =	ssyncadd.s32 $0xFFFFC000  }
0x67: {  	_ =	swait.ge [sflag:s6], $0x4000  }
0x68: {  	[sflag:s6] =	ssyncset.done $0x0  }
0x69: {  	[sflag:s6] =	ssyncadd.s32 $0xFFFFC000  }
0x6a: {  	_ =	swait.ge [sflag:s7], $0x4000  }
0x6b: {  	[sflag:s7] =	ssyncset.done $0x0  }
0x6c: {  	p1 =	sne.s32 s1, $0x1;
	[sflag:s7] =	ssyncadd.s32 $0xFFFFC000  }
.Ltmp1:
0x6d: {  	_ =	swait.ge [sflag:s11], $0x4000;
	(pc) =	sbr.rel @!p1 .LBB2_3-.Ltmp1, $4  }
0x6e: {  	[sflag:s11] =	ssyncset.done $0x0  }
0x6f: {  	[sflag:s11] =	ssyncadd.s32 $0xFFFFC000  }
0x70: {  	s1 =	sadd.s32 $0xFFFFFFFF, s1;
	_ =	swait.ge [sflag:s10], $0x1800  }
0x71: {  	p0 =	por $0x1, $0x1;
	s0 =	rddreg [dreg:$0x4];
	[sflag:s10] =	ssyncset.done $0x0  }
.LBB2_2:
0x72: {  	[sflag:s10] =	ssyncadd.s32 $0xFFFFE800  }
0x73: {  	[tilespmem:s2], [sflag:$0xB] =	stream.linear.gather [hbm4b:s0+s2], $0x4B0, $0x38;
	[tilespmem:$0x14500] =	vst v63  }
0x74: {  	_ =	swait.ge [sflag:s29], $0x4B0  }
0x75: {  	[sflag:s29] =	ssyncset.done $0x0  }
0x76: {  	[sflag:s29] =	ssyncadd.s32 $0xFFFFFB50  }
0x77: {  	[tilespmem:s17], [sflag:$0x1] =	stream.indirect.gather [hbm4b:s3+s19], $0x80, s2, s19, $0xb8;
	[tilespmem:$0x14500] =	vst v63  }
0x78: {  	_ = 	snop  }
0x79: {  	[tilespmem:s13], [sflag:$0x2] =	stream.indirect.gather [hbm4b:s3+s19], $0x80, s19, s19, $0xb8;
	[tilespmem:$0x14500] =	vst v63  }
0x7a: {  	_ = 	snop  }
0x7b: {  	[tilespmem:s12], [sflag:$0x3] =	stream.indirect.gather [hbm4b:s3+s19], $0x80, s30, s19, $0xb8;
	[tilespmem:$0x14500] =	vst v63  }
0x7c: {  	_ = 	snop  }
0x7d: {  	[tilespmem:s9], [sflag:$0x4] =	stream.indirect.gather [hbm4b:s3+s19], $0x80, s31, s19, $0xb8;
	[tilespmem:$0x14500] =	vst v63  }
0x7e: {  	_ =	swait.ge [sflag:s20], $0x4000  }
0x7f: {  	[sflag:s20] =	ssyncset.done $0x0  }
0x80: {  	s0 =	rddreg [dreg:$0x5];
	[sflag:s20] =	ssyncadd.s32 $0xFFFFC000  }
0x81: {  	[hbm4b:s0+s2] =	stream.linear.scatter [tilespmem:s17], [sflag:$0x6], $0x4000, $0x38;
	[tilespmem:$0x14500] =	vst v63  }
0x82: {  	_ = 	snop  }
0x83: {  	[tilespmem:s8], [sflag:$0x5] =	stream.indirect.gather [hbm4b:s3+s19], $0x80, s28, s19, $0xb8;
	[tilespmem:$0x14500] =	vst v63  }
0x84: {  	_ =	swait.ge [sflag:s18], $0x4000  }
0x85: {  	[sflag:s18] =	ssyncset.done $0x0  }
0x86: {  	s0 =	rddreg [dreg:$0x6];
	[sflag:s18] =	ssyncadd.s32 $0xFFFFC000  }
0x87: {  	[hbm4b:s0+s2] =	stream.linear.scatter [tilespmem:s13], [sflag:$0x7], $0x4000, $0x38;
	[tilespmem:$0x14500] =	vst v63  }
0x88: {  	_ =	swait.ge [sflag:s5], $0x4000  }
0x89: {  	[sflag:s5] =	ssyncset.done $0x0  }
0x8a: {  	[sflag:s5] =	ssyncadd.s32 $0xFFFFC000  }
0x8b: {  	[tilespmem:s17], [sflag:$0x1] =	stream.indirect.gather [hbm4b:s3+s19], $0x80, s26, s19, $0xb8;
	[tilespmem:$0x14500] =	vst v63  }
0x8c: {  	_ =	swait.ge [sflag:s15], $0x4000  }
0x8d: {  	[sflag:s15] =	ssyncset.done $0x0  }
0x8e: {  	s0 =	rddreg [dreg:$0x7];
	[sflag:s15] =	ssyncadd.s32 $0xFFFFC000  }
0x8f: {  	[hbm4b:s0+s2] =	stream.linear.scatter [tilespmem:s12], [sflag:$0x8], $0x4000, $0x38;
	[tilespmem:$0x14500] =	vst v63  }
0x90: {  	_ =	swait.ge [sflag:s6], $0x4000  }
0x91: {  	[sflag:s6] =	ssyncset.done $0x0  }
0x92: {  	[sflag:s6] =	ssyncadd.s32 $0xFFFFC000  }
0x93: {  	[tilespmem:s13], [sflag:$0x2] =	stream.indirect.gather [hbm4b:s3+s19], $0x80, s25, s19, $0xb8;
	[tilespmem:$0x14500] =	vst v63  }
0x94: {  	_ =	swait.ge [sflag:s14], $0x4000  }
0x95: {  	[sflag:s14] =	ssyncset.done $0x0  }
0x96: {  	s0 =	rddreg [dreg:$0x8];
	[sflag:s14] =	ssyncadd.s32 $0xFFFFC000  }
0x97: {  	[hbm4b:s0+s2] =	stream.linear.scatter [tilespmem:s9], [sflag:$0x9], $0x4000, $0x38;
	[tilespmem:$0x14500] =	vst v63  }
0x98: {  	_ =	swait.ge [sflag:s7], $0x4000  }
0x99: {  	[sflag:s7] =	ssyncset.done $0x0  }
0x9a: {  	[sflag:s7] =	ssyncadd.s32 $0xFFFFC000  }
0x9b: {  	[tilespmem:s12], [sflag:$0x3] =	stream.indirect.gather [hbm4b:s3+s19], $0x80, s24, s19, $0xb8;
	[tilespmem:$0x14500] =	vst v63  }
0x9c: {  	_ =	swait.ge [sflag:s16], $0x4000  }
0x9d: {  	[sflag:s16] =	ssyncset.done $0x0  }
0x9e: {  	s0 =	rddreg [dreg:$0x9];
	[sflag:s16] =	ssyncadd.s32 $0xFFFFC000  }
0x9f: {  	[hbm4b:s0+s2] =	stream.linear.scatter [tilespmem:s8], [sflag:$0xA], $0x4000, $0x38;
	[tilespmem:$0x14500] =	vst v63  }
0xa0: {  	_ =	swait.ge [sflag:s11], $0x4000  }
0xa1: {  	[sflag:s11] =	ssyncset.done $0x0  }
0xa2: {  	[sflag:s11] =	ssyncadd.s32 $0xFFFFC000  }
0xa3: {  	[tilespmem:s9], [sflag:$0x4] =	stream.indirect.gather [hbm4b:s3+s19], $0x80, s23, s19, $0xb8;
	[tilespmem:$0x14500] =	vst v63  }
0xa4: {  	_ =	swait.ge [sflag:s20], $0x4000  }
0xa5: {  	[sflag:s20] =	ssyncset.done $0x0  }
0xa6: {  	s0 =	rddreg [dreg:$0xa];
	[sflag:s20] =	ssyncadd.s32 $0xFFFFC000  }
0xa7: {  	[hbm4b:s0+s2] =	stream.linear.scatter [tilespmem:s17], [sflag:$0x6], $0x4000, $0x38;
	[tilespmem:$0x14500] =	vst v63  }
0xa8: {  	_ =	swait.ge [sflag:s10], $0x4000  }
0xa9: {  	[sflag:s10] =	ssyncset.done $0x0  }
0xaa: {  	[sflag:s10] =	ssyncadd.s32 $0xFFFFC000  }
0xab: {  	[tilespmem:s8], [sflag:$0x5] =	stream.indirect.gather [hbm4b:s3+s21], $0x80, s22, s21, $0xb8;
	[tilespmem:$0x14500] =	vst v63  }
0xac: {  	_ =	swait.ge [sflag:s18], $0x4000  }
0xad: {  	[sflag:s18] =	ssyncset.done $0x0  }
0xae: {  	s0 =	rddreg [dreg:$0xb];
	[sflag:s18] =	ssyncadd.s32 $0xFFFFC000  }
0xaf: {  	[hbm4b:s0+s2] =	stream.linear.scatter [tilespmem:s13], [sflag:$0x7], $0x4000, $0x38;
	[tilespmem:$0x14500] =	vst v63  }
0xb0: {  	_ =	swait.ge [sflag:s15], $0x4000  }
0xb1: {  	[sflag:s15] =	ssyncset.done $0x0  }
0xb2: {  	s0 =	rddreg [dreg:$0xc];
	[sflag:s15] =	ssyncadd.s32 $0xFFFFC000  }
0xb3: {  	[hbm4b:s0+s2] =	stream.linear.scatter [tilespmem:s12], [sflag:$0x8], $0x4000, $0x38;
	[tilespmem:$0x14500] =	vst v63  }
0xb4: {  	_ =	swait.ge [sflag:s14], $0x4000  }
0xb5: {  	[sflag:s14] =	ssyncset.done $0x0  }
0xb6: {  	s0 =	rddreg [dreg:$0xd];
	[sflag:s14] =	ssyncadd.s32 $0xFFFFC000  }
0xb7: {  	[hbm4b:s0+s2] =	stream.linear.scatter [tilespmem:s9], [sflag:$0x9], $0x4000, $0x38;
	[tilespmem:$0x14500] =	vst v63  }
0xb8: {  	_ =	swait.ge [sflag:s16], $0x1800  }
0xb9: {  	[sflag:s16] =	ssyncset.done $0x0  }
0xba: {  	[sflag:s16] =	ssyncadd.s32 $0xFFFFE800  }
0xbb: {  	[hbm4b:s4+s2] =	stream.linear.scatter [tilespmem:s8], [sflag:$0xA], $0x1800, $0x38;
	[tilespmem:$0x14500] =	vst v63  }
0xbc: {  	_ =	swait.ge [sflag:s5], $0x4000  }
0xbd: {  	[sflag:s5] =	ssyncset.done $0x0  }
0xbe: {  	[sflag:s5] =	ssyncadd.s32 $0xFFFFC000  }
0xbf: {  	_ =	swait.ge [sflag:s6], $0x4000  }
0xc0: {  	[sflag:s6] =	ssyncset.done $0x0  }
0xc1: {  	[sflag:s6] =	ssyncadd.s32 $0xFFFFC000  }
0xc2: {  	_ =	swait.ge [sflag:s7], $0x4000  }
0xc3: {  	[sflag:s7] =	ssyncset.done $0x0  }
0xc4: {  	p1 =	sne.s32 s1, $0x1;
	[sflag:s7] =	ssyncadd.s32 $0xFFFFC000  }
.Ltmp2:
0xc5: {  	_ =	swait.ge [sflag:s11], $0x4000;
	(pc) =	sbr.rel @p1 .LBB2_2-.Ltmp2, $4  }
0xc6: {  	[sflag:s11] =	ssyncset.done $0x0  }
0xc7: {  	[sflag:s11] =	ssyncadd.s32 $0xFFFFC000  }
0xc8: {  	_ =	swait.ge [sflag:s10], $0x1800  }
0xc9: {  	s1 =	sadd.s32 $0xFFFFFFFF, s1;
	s0 =	rddreg [dreg:$0x4];
	[sflag:s10] =	ssyncset.done $0x0  }
.LBB2_3:
0xca: {  	[sflag:s10] =	ssyncadd.s32 @p0 $0xFFFFE800  }
0xcb: {  	[tilespmem:s2], [sflag:$0xB] =	stream.linear.gather [hbm4b:s0+s2], $0x4B0, $0x38;
	[tilespmem:$0x14500] =	vst v63  }
0xcc: {  	_ =	swait.ge [sflag:s29], $0x4B0  }
0xcd: {  	[sflag:s29] =	ssyncset.done $0x0  }
0xce: {  	[sflag:s29] =	ssyncadd.s32 $0xFFFFFB50  }
0xcf: {  	[tilespmem:s17], [sflag:$0x1] =	stream.indirect.gather [hbm4b:s3+s19], $0x80, s2, s19, $0xb8;
	[tilespmem:$0x14500] =	vst v63  }
0xd0: {  	_ = 	snop  }
0xd1: {  	[tilespmem:s13], [sflag:$0x2] =	stream.indirect.gather [hbm4b:s3+s19], $0x80, s19, s19, $0xb8;
	[tilespmem:$0x14500] =	vst v63  }
0xd2: {  	_ = 	snop  }
0xd3: {  	[tilespmem:s12], [sflag:$0x3] =	stream.indirect.gather [hbm4b:s3+s19], $0x80, s30, s19, $0xb8;
	[tilespmem:$0x14500] =	vst v63  }
0xd4: {  	_ = 	snop  }
0xd5: {  	[tilespmem:s9], [sflag:$0x4] =	stream.indirect.gather [hbm4b:s3+s19], $0x80, s31, s19, $0xb8;
	[tilespmem:$0x14500] =	vst v63  }
0xd6: {  	_ =	swait.ge [sflag:s20], $0x4000  }
0xd7: {  	[sflag:s20] =	ssyncset.done $0x0  }
0xd8: {  	s29 =	rddreg [dreg:$0x5];
	[sflag:s20] =	ssyncadd.s32 $0xFFFFC000  }
0xd9: {  	[hbm4b:s29+s2] =	stream.linear.scatter [tilespmem:s17], [sflag:$0x6], $0x4000, $0x38;
	[tilespmem:$0x14500] =	vst v63  }
0xda: {  	_ = 	snop  }
0xdb: {  	[tilespmem:s8], [sflag:$0x5] =	stream.indirect.gather [hbm4b:s3+s19], $0x80, s28, s19, $0xb8;
	[tilespmem:$0x14500] =	vst v63  }
0xdc: {  	_ =	swait.ge [sflag:s18], $0x4000  }
0xdd: {  	[sflag:s18] =	ssyncset.done $0x0  }
0xde: {  	s30 =	rddreg [dreg:$0x6];
	[sflag:s18] =	ssyncadd.s32 $0xFFFFC000  }
0xdf: {  	[hbm4b:s30+s2] =	stream.linear.scatter [tilespmem:s13], [sflag:$0x7], $0x4000, $0x38;
	[tilespmem:$0x14500] =	vst v63  }
0xe0: {  	_ =	swait.ge [sflag:s5], $0x4000  }
0xe1: {  	[sflag:s5] =	ssyncset.done $0x0  }
0xe2: {  	[sflag:s5] =	ssyncadd.s32 $0xFFFFC000  }
0xe3: {  	[tilespmem:s17], [sflag:$0x1] =	stream.indirect.gather [hbm4b:s3+s19], $0x80, s26, s19, $0xb8;
	[tilespmem:$0x14500] =	vst v63  }
0xe4: {  	_ =	swait.ge [sflag:s15], $0x4000  }
0xe5: {  	[sflag:s15] =	ssyncset.done $0x0  }
0xe6: {  	s31 =	rddreg [dreg:$0x7];
	[sflag:s15] =	ssyncadd.s32 $0xFFFFC000  }
0xe7: {  	[hbm4b:s31+s2] =	stream.linear.scatter [tilespmem:s12], [sflag:$0x8], $0x4000, $0x38;
	[tilespmem:$0x14500] =	vst v63  }
0xe8: {  	_ =	swait.ge [sflag:s6], $0x4000  }
0xe9: {  	[sflag:s6] =	ssyncset.done $0x0  }
0xea: {  	[sflag:s6] =	ssyncadd.s32 $0xFFFFC000  }
0xeb: {  	[tilespmem:s13], [sflag:$0x2] =	stream.indirect.gather [hbm4b:s3+s19], $0x80, s25, s19, $0xb8;
	[tilespmem:$0x14500] =	vst v63  }
0xec: {  	_ =	swait.ge [sflag:s14], $0x4000  }
0xed: {  	[sflag:s14] =	ssyncset.done $0x0  }
0xee: {  	s1 =	rddreg [dreg:$0x8];
	[sflag:s14] =	ssyncadd.s32 $0xFFFFC000  }
0xef: {  	[hbm4b:s1+s2] =	stream.linear.scatter [tilespmem:s9], [sflag:$0x9], $0x4000, $0x38;
	[tilespmem:$0x14500] =	vst v63  }
0xf0: {  	_ =	swait.ge [sflag:s7], $0x4000  }
0xf1: {  	[sflag:s7] =	ssyncset.done $0x0  }
0xf2: {  	[sflag:s7] =	ssyncadd.s32 $0xFFFFC000  }
0xf3: {  	[tilespmem:s12], [sflag:$0x3] =	stream.indirect.gather [hbm4b:s3+s19], $0x80, s24, s19, $0xb8;
	[tilespmem:$0x14500] =	vst v63  }
0xf4: {  	_ =	swait.ge [sflag:s16], $0x4000  }
0xf5: {  	[sflag:s16] =	ssyncset.done $0x0  }
0xf6: {  	s25 =	rddreg [dreg:$0x9];
	[sflag:s16] =	ssyncadd.s32 $0xFFFFC000  }
0xf7: {  	[hbm4b:s25+s2] =	stream.linear.scatter [tilespmem:s8], [sflag:$0xA], $0x4000, $0x38;
	[tilespmem:$0x14500] =	vst v63  }
0xf8: {  	_ =	swait.ge [sflag:s11], $0x4000  }
0xf9: {  	[sflag:s11] =	ssyncset.done $0x0  }
0xfa: {  	[sflag:s11] =	ssyncadd.s32 $0xFFFFC000  }
0xfb: {  	[tilespmem:s9], [sflag:$0x4] =	stream.indirect.gather [hbm4b:s3+s19], $0x80, s23, s19, $0xb8;
	[tilespmem:$0x14500] =	vst v63  }
0xfc: {  	_ =	swait.ge [sflag:s20], $0x4000  }
0xfd: {  	[sflag:s20] =	ssyncset.done $0x0  }
0xfe: {  	s26 =	rddreg [dreg:$0xa];
	[sflag:s20] =	ssyncadd.s32 $0xFFFFC000  }
0xff: {  	[hbm4b:s26+s2] =	stream.linear.scatter [tilespmem:s17], [sflag:$0x6], $0x4000, $0x38;
	[tilespmem:$0x14500] =	vst v63  }
0x100: {  	_ =	swait.ge [sflag:s10], $0x4000  }
0x101: {  	[sflag:s10] =	ssyncset.done $0x0  }
0x102: {  	[sflag:s10] =	ssyncadd.s32 $0xFFFFC000  }
0x103: {  	[tilespmem:s8], [sflag:$0x5] =	stream.indirect.gather [hbm4b:s3+s21], $0x80, s22, s21, $0xb8;
	[tilespmem:$0x14500] =	vst v63  }
0x104: {  	_ =	swait.ge [sflag:s18], $0x4000  }
0x105: {  	[sflag:s18] =	ssyncset.done $0x0  }
0x106: {  	s28 =	rddreg [dreg:$0xb];
	[sflag:s18] =	ssyncadd.s32 $0xFFFFC000  }
0x107: {  	[hbm4b:s28+s2] =	stream.linear.scatter [tilespmem:s13], [sflag:$0x7], $0x4000, $0x38;
	[tilespmem:$0x14500] =	vst v63  }
0x108: {  	_ =	swait.ge [sflag:s15], $0x4000  }
0x109: {  	[sflag:s15] =	ssyncset.done $0x0  }
0x10a: {  	s29 =	rddreg [dreg:$0xc];
	[sflag:s15] =	ssyncadd.s32 $0xFFFFC000  }
0x10b: {  	[hbm4b:s29+s2] =	stream.linear.scatter [tilespmem:s12], [sflag:$0x8], $0x4000, $0x38;
	[tilespmem:$0x14500] =	vst v63  }
0x10c: {  	_ =	swait.ge [sflag:s14], $0x4000  }
0x10d: {  	[sflag:s14] =	ssyncset.done $0x0  }
0x10e: {  	s30 =	rddreg [dreg:$0xd];
	[sflag:s14] =	ssyncadd.s32 $0xFFFFC000  }
0x10f: {  	[hbm4b:s30+s2] =	stream.linear.scatter [tilespmem:s9], [sflag:$0x9], $0x4000, $0x38;
	[tilespmem:$0x14500] =	vst v63  }
0x110: {  	_ =	swait.ge [sflag:s16], $0x1800  }
0x111: {  	[sflag:s16] =	ssyncset.done $0x0  }
0x112: {  	[sflag:s16] =	ssyncadd.s32 $0xFFFFE800  }
0x113: {  	[hbm4b:s4+s2] =	stream.linear.scatter [tilespmem:s8], [sflag:$0xA], $0x1800, $0x38;
	[tilespmem:$0x14500] =	vst v63  }
0x114: {  	_ =	swait.ge [sflag:s5], $0x4000  }
0x115: {  	[sflag:s5] =	ssyncset.done $0x0  }
0x116: {  	[sflag:s5] =	ssyncadd.s32 $0xFFFFC000  }
0x117: {  	_ =	swait.ge [sflag:s6], $0x4000  }
0x118: {  	[sflag:s6] =	ssyncset.done $0x0  }
0x119: {  	[sflag:s6] =	ssyncadd.s32 $0xFFFFC000  }
0x11a: {  	_ =	swait.ge [sflag:s7], $0x4000  }
0x11b: {  	[sflag:s7] =	ssyncset.done $0x0  }
0x11c: {  	[sflag:s7] =	ssyncadd.s32 $0xFFFFC000  }
0x11d: {  	_ =	swait.ge [sflag:s11], $0x4000  }
0x11e: {  	[sflag:s11] =	ssyncset.done $0x0  }
0x11f: {  	[sflag:s11] =	ssyncadd.s32 $0xFFFFC000  }
0x120: {  	_ =	swait.ge [sflag:s10], $0x1800  }
0x121: {  	[sflag:s10] =	ssyncset.done $0x0  }
0x122: {  	[sflag:s10] =	ssyncadd.s32 $0xFFFFE800  }
0x123: {  	_ =	sfence.sel $0x180000  }
0x124: {  	[bflag:$0x0] =	sbarrier.arrive $0xFFFF  }
0x125: {  	_ =	strace $0x9000004A  }
0x126: {  	s31 =	stileid.u32;
	[bflag:$0x2] =	sbarrier.arrive $0xFFFF  }
0x127: {  	p0 =	sne.s32 s31, $0x0;
	s0 =	rddreg [dreg:$0x3]  }
0x128: {  	s0 =	sadd.s32 @!p0 $0x100000, s0  }
0x129: {  	[sflag:s0] =	ssyncadd.tile.s32 @!p0 $0x1;
	_ =	shalt  }
.Lfunc_end2:
_tile_overlayer_lowered:
.L_overlay_start_2:
0x12a: {  	(tag) =	ssettag $0x2  }
0x12b: {  	s0 =	rddreg [dreg:$0x0];
	s2 =	stileid.u32  }
0x12c: {  	s1 =	rddreg [dreg:$0x1];
	p0 =	sne.s32 s2, $0x0  }
0x12d: {  	s3 =	rddreg [dreg:$0x2];
	[bflag:$0x3] =	sbarrier.arrive $0xFFFF;
	s2 =	simm.s32 @!p0 $0x1C0B  }
0x12e: {  	[timem:s3], [sflag:s2] =	dma.local @!p0 [hbm:s0], s1  }
0x12f: {  	s0 =	simm.s32 @!p0 $0xB  }
0x130: {  	_ =	swait.ge @!p0 [sflag:s0], s1  }
0x131: {  	s1 =	ssub.s32 @!p0 $0x0, s1;
	[sflag:s0] =	ssyncset.done @!p0 $0x0  }
0x132: {  	[sflag:s0] =	ssyncadd.s32 @!p0 s1  }
0x133: {  	[bflag:$0x3] =	sbarrier.arrive $0xFFFF  }
0x134: {  	_ =	shalt  }

</sc_bundles>
